<compile_context>
chip_gen: v7x
topology: tpu7x:2x2x1
jax: 0.10.2.dev20260603
libtpu: 0.0.44.dev20260713+nightly
codegen_flags: <defaults>
</compile_context>

<pallas_src>
import jax
import jax.numpy as jnp
from jax import lax
from jax.experimental import pallas as pl
from jax.experimental.pallas import tpu as pltpu
from jax.experimental.pallas import tpu_sc as plsc

N_FACTORS = 32
BATCH = 16384
NC, NS, L = 2, 16, 16
NW = NC * NS
BPW = BATCH // NW
GROUPS = BPW // L
Y_SCALE = 5.0


def _mf_body(users_hbm, items_hbm, uemb_hbm, vemb_hbm, ubias_hbm, ibias_hbm,
             out_hbm, uidx_v, iidx_v, urid_v, irid_v, urows_v, vrows_v,
             ub_v, ib_v, out_v, sem):
    wid = lax.axis_index("s") * NC + lax.axis_index("c")
    base = wid * BPW

    pltpu.sync_copy(users_hbm.at[pl.ds(base, BPW)], uidx_v)
    pltpu.sync_copy(items_hbm.at[pl.ds(base, BPW)], iidx_v)

    def shift(i, _):
        urid_v[pl.ds(i * L, L)] = lax.shift_right_logical(uidx_v[pl.ds(i * L, L)], 4)
        irid_v[pl.ds(i * L, L)] = lax.shift_right_logical(iidx_v[pl.ds(i * L, L)], 4)
        return 0
    lax.fori_loop(0, GROUPS, shift, 0, unroll=False)

    c1 = pltpu.async_copy(uemb_hbm.at[uidx_v], urows_v, sem)
    c2 = pltpu.async_copy(vemb_hbm.at[iidx_v], vrows_v, sem)
    c3 = pltpu.async_copy(ubias_hbm.at[urid_v], ub_v, sem)
    c4 = pltpu.async_copy(ibias_hbm.at[irid_v], ib_v, sem)
    c1.wait()
    c2.wait()
    c3.wait()
    c4.wait()

    lane = lax.iota(jnp.int32, L)

    def group(g, _):
        rows = lane + g * L
        acc = (plsc.load_gather(ub_v, [rows, uidx_v[pl.ds(g * L, L)] & 15])
               + plsc.load_gather(ib_v, [rows, iidx_v[pl.ds(g * L, L)] & 15]))
        for f in range(N_FACTORS):
            cols = jnp.full((L,), f, jnp.int32)
            u = plsc.load_gather(urows_v, [rows, cols])
            v = plsc.load_gather(vrows_v, [rows, cols])
            acc = acc + u * v
        out_v[pl.ds(g * L, L)] = Y_SCALE / (1.0 + jnp.exp(-acc))
        return 0

    lax.fori_loop(0, GROUPS, group, 0, unroll=False)
    pltpu.sync_copy(out_v, out_hbm.at[pl.ds(base, BPW)])


@jax.jit
def _mf_call(users, items, uemb, vemb, ubias16, ibias16):
    kern = pl.kernel(
        _mf_body,
        out_type=jax.ShapeDtypeStruct((BATCH,), jnp.float32),
        mesh=plsc.VectorSubcoreMesh(core_axis_name="c", subcore_axis_name="s"),
        scratch_types=[
            pltpu.VMEM((BPW,), jnp.int32),
            pltpu.VMEM((BPW,), jnp.int32),
            pltpu.VMEM((BPW,), jnp.int32),
            pltpu.VMEM((BPW,), jnp.int32),
            pltpu.VMEM((BPW, N_FACTORS), jnp.float32),
            pltpu.VMEM((BPW, N_FACTORS), jnp.float32),
            pltpu.VMEM((BPW, 16), jnp.float32),
            pltpu.VMEM((BPW, 16), jnp.float32),
            pltpu.VMEM((BPW,), jnp.float32),
            pltpu.SemaphoreType.DMA,
        ],
        compiler_params=pltpu.CompilerParams(
            use_tc_tiling_on_sc=False, needs_layout_passes=False),
    )
    return kern(users, items, uemb, vemb, ubias16, ibias16)


def kernel(users, items, user_embedding, item_embedding, user_bias, item_bias):
    users = users.astype(jnp.int32)
    items = items.astype(jnp.int32)
    n = user_bias.shape[0]
    ub16 = user_bias.reshape(n // 16, 16)
    ib16 = item_bias.reshape(n // 16, 16)
    return _mf_call(users, items, user_embedding, item_embedding, ub16, ib16)

# --- scband reference (transcript-rebuilt; emitter-appended) ---
"""Pipeline reference for scband-mf-dot-bias-60730837566143 (READ-ONLY COPY).

The authoritative reference and input builder live on the scoring server;
editing this copy changes nothing except your own understanding.
"""

import jax, jax.numpy as jnp
import numpy as np

N_USERS = 1000000
N_ITEMS = 1000000
N_FACTORS = 32
BATCH = 16384
Y_RANGE = (0.0, 5.0)

def setup_inputs(seed: int = 0) -> dict:
    key = jax.random.key(seed)
    k1, k2, k3, k4, k5, k6 = jax.random.split(key, 6)
    users = jax.random.randint(k1, (BATCH,), 0, N_USERS, dtype=jnp.int64) if jax.config.jax_enable_x64 else jax.random.randint(k1, (BATCH,), 0, N_USERS, dtype=jnp.int32)
    items = jax.random.randint(k2, (BATCH,), 0, N_ITEMS, dtype=jnp.int32)
    user_embedding = jax.random.normal(k3, (N_USERS, N_FACTORS), dtype=jnp.float32)
    item_embedding = jax.random.normal(k4, (N_ITEMS, N_FACTORS), dtype=jnp.float32)
    user_bias = jax.random.normal(k5, (N_USERS, 1), dtype=jnp.float32)
    item_bias = jax.random.normal(k6, (N_ITEMS, 1), dtype=jnp.float32)
    return {"users": users, "items": items, "user_embedding": user_embedding, "item_embedding": item_embedding, "user_bias": user_bias, "item_bias": item_bias}

def reference(users, items, user_embedding, item_embedding, user_bias, item_bias):
    u = jnp.take(user_embedding, users, axis=0)
    v = jnp.take(item_embedding, items, axis=0)
    dot = u * v
    res = jnp.sum(dot, axis=1)
    res = res + jnp.squeeze(jnp.take(user_bias, users, axis=0)) + jnp.squeeze(jnp.take(item_bias, items, axis=0))
    res = jax.nn.sigmoid(res) * (Y_RANGE[1] - Y_RANGE[0]) + Y_RANGE[0]
    return res

if __name__ == "__main__":
    import jax
    _d = setup_inputs()
    print(jax.jit(kernel)(*tuple(_d.values())))

</pallas_src>

<mosaic_0001>
#map = affine_map<(d0, d1) -> (0)>
#map1 = affine_map<(d0, d1) -> (0, 0)>
module attributes {stable_mosaic.version = 14 : i64} {
  func.func @_mf_body(%arg0: i32, %arg1: i32, %arg2: memref<16384xi32, #tpu.memory_space<hbm>>, %arg3: memref<16384xi32, #tpu.memory_space<hbm>>, %arg4: memref<1000000x32xf32, #tpu.memory_space<hbm>>, %arg5: memref<1000000x32xf32, #tpu.memory_space<hbm>>, %arg6: memref<62500x16xf32, #tpu.memory_space<hbm>>, %arg7: memref<62500x16xf32, #tpu.memory_space<hbm>>, %arg8: memref<16384xf32, #tpu.memory_space<hbm>>, %arg9: memref<512xi32, #tpu.memory_space<vmem>>, %arg10: memref<512xi32, #tpu.memory_space<vmem>>, %arg11: memref<512xi32, #tpu.memory_space<vmem>>, %arg12: memref<512xi32, #tpu.memory_space<vmem>>, %arg13: memref<512x32xf32, #tpu.memory_space<vmem>>, %arg14: memref<512x32xf32, #tpu.memory_space<vmem>>, %arg15: memref<512x16xf32, #tpu.memory_space<vmem>>, %arg16: memref<512x16xf32, #tpu.memory_space<vmem>>, %arg17: memref<512xf32, #tpu.memory_space<vmem>>, %arg18: memref<!tpu.dma_semaphore, #tpu.memory_space<semaphore_mem>>) attributes {dimension_semantics = [#tpu.dimension_semantics<core_parallel>, #tpu.dimension_semantics<subcore_parallel>], iteration_bounds = array<i64: 2, 16>, scalar_prefetch = 0 : i64, scratch_operands = 10 : i64, tpu.core_type = #tpu.core_type<sc_vector_subcore>, window_params = [{transform_indices = #map}, {transform_indices = #map}, {transform_indices = #map1}, {transform_indices = #map1}, {transform_indices = #map1}, {transform_indices = #map1}, {transform_indices = #map}]} {
    %mul3A = arith.constant 2 : i32
    %mul3A_0 = arith.muli %arg1, %mul3A : i32
    %add3A = arith.addi %mul3A_0, %arg0 : i32
    %mul3A_1 = arith.constant 512 : i32
    %mul3A_2 = arith.muli %add3A, %mul3A_1 : i32
    "tpu.region"() ({
      %run_scoped3A = tpu.sem_alloc : memref<!tpu.dma_semaphore, #tpu.memory_space<semaphore_mem>>
      %dma_start3A_38 = tpu.memref_slice %arg2[%mul3A_2] : memref<16384xi32, #tpu.memory_space<hbm>> -> memref<512xi32, #tpu.memory_space<hbm>>
      %dma_start3A_39 = tpu.memref_slice %arg2[%mul3A_2] : memref<16384xi32, #tpu.memory_space<hbm>> -> memref<512xi32, #tpu.memory_space<hbm>>
      tpu.enqueue_dma source(%dma_start3A_39 : memref<512xi32, #tpu.memory_space<hbm>>) target(%arg9 : memref<512xi32, #tpu.memory_space<vmem>>) target_semaphore(%run_scoped3A : memref<!tpu.dma_semaphore, #tpu.memory_space<semaphore_mem>>)
      %dma_wait3A_40 = tpu.memref_slice %arg2[%mul3A_2] : memref<16384xi32, #tpu.memory_space<hbm>> -> memref<512xi32, #tpu.memory_space<hbm>>
      %dma_wait3A_41 = tpu.memref_slice %arg2[%mul3A_2] : memref<16384xi32, #tpu.memory_space<hbm>> -> memref<512xi32, #tpu.memory_space<hbm>>
      tpu.wait_dma2 semaphore(%run_scoped3A : memref<!tpu.dma_semaphore, #tpu.memory_space<semaphore_mem>>) src(%dma_wait3A_41 : memref<512xi32, #tpu.memory_space<hbm>>) dst(%arg9 : memref<512xi32, #tpu.memory_space<vmem>>)
      tpu.yield
    }) : () -> ()
    "tpu.region"() ({
      %run_scoped3A = tpu.sem_alloc : memref<!tpu.dma_semaphore, #tpu.memory_space<semaphore_mem>>
      %dma_start3A_38 = tpu.memref_slice %arg3[%mul3A_2] : memref<16384xi32, #tpu.memory_space<hbm>> -> memref<512xi32, #tpu.memory_space<hbm>>
      %dma_start3A_39 = tpu.memref_slice %arg3[%mul3A_2] : memref<16384xi32, #tpu.memory_space<hbm>> -> memref<512xi32, #tpu.memory_space<hbm>>
      tpu.enqueue_dma source(%dma_start3A_39 : memref<512xi32, #tpu.memory_space<hbm>>) target(%arg10 : memref<512xi32, #tpu.memory_space<vmem>>) target_semaphore(%run_scoped3A : memref<!tpu.dma_semaphore, #tpu.memory_space<semaphore_mem>>)
      %dma_wait3A_40 = tpu.memref_slice %arg3[%mul3A_2] : memref<16384xi32, #tpu.memory_space<hbm>> -> memref<512xi32, #tpu.memory_space<hbm>>
      %dma_wait3A_41 = tpu.memref_slice %arg3[%mul3A_2] : memref<16384xi32, #tpu.memory_space<hbm>> -> memref<512xi32, #tpu.memory_space<hbm>>
      tpu.wait_dma2 semaphore(%run_scoped3A : memref<!tpu.dma_semaphore, #tpu.memory_space<semaphore_mem>>) src(%dma_wait3A_41 : memref<512xi32, #tpu.memory_space<hbm>>) dst(%arg10 : memref<512xi32, #tpu.memory_space<vmem>>)
      tpu.yield
    }) : () -> ()
    %scan3A = arith.constant 0 : i32
    %scan3A_3 = arith.constant 0 : i32
    %scan3A_4 = arith.constant 32 : i32
    %scan3A_5 = arith.addi %scan3A_3, %scan3A_4 : i32
    %scan3A_6 = arith.constant 1 : i32
    %scan3A_7 = scf.for %scan3A_38 = %scan3A_3 to %scan3A_5 step %scan3A_6 iter_args(%scan3A_39 = %scan3A) -> (i32)  : i32 {
      %mul3A_40 = arith.constant 16 : i32
      %mul3A_41 = arith.muli %scan3A_38, %mul3A_40 : i32
      %get3A = arith.index_cast %mul3A_41 : i32 to index
      %get3A_42 = tpu.vector_load %arg9[%get3A] {strides = array<i32>} : memref<512xi32, #tpu.memory_space<vmem>>, vector<16xi32>,
      %shift_right_logical3A = arith.constant 4 : i32
      %shift_right_logical3A_43 = vector.broadcast %shift_right_logical3A : i32 to vector<16xi32>
      %shift_right_logical3A_44 = arith.shrui %get3A_42, %shift_right_logical3A_43 : vector<16xi32>
      %mul3A_45 = arith.constant 16 : i32
      %mul3A_46 = arith.muli %scan3A_38, %mul3A_45 : i32
      %swap3A = arith.index_cast %mul3A_46 : i32 to index
      %swap3A_47 = tpu.vector_load %arg11[%swap3A] {strides = array<i32>} : memref<512xi32, #tpu.memory_space<vmem>>, vector<16xi32>,
      tpu.vector_store %arg11[%swap3A], %shift_right_logical3A_44 {strides = array<i32>} : memref<512xi32, #tpu.memory_space<vmem>>, vector<16xi32>,
      %mul3A_48 = arith.constant 16 : i32
      %mul3A_49 = arith.muli %scan3A_38, %mul3A_48 : i32
      %get3A_50 = arith.index_cast %mul3A_49 : i32 to index
      %get3A_51 = tpu.vector_load %arg10[%get3A_50] {strides = array<i32>} : memref<512xi32, #tpu.memory_space<vmem>>, vector<16xi32>,
      %shift_right_logical3A_52 = arith.constant 4 : i32
      %shift_right_logical3A_53 = vector.broadcast %shift_right_logical3A_52 : i32 to vector<16xi32>
      %shift_right_logical3A_54 = arith.shrui %get3A_51, %shift_right_logical3A_53 : vector<16xi32>
      %mul3A_55 = arith.constant 16 : i32
      %mul3A_56 = arith.muli %scan3A_38, %mul3A_55 : i32
      %swap3A_57 = arith.index_cast %mul3A_56 : i32 to index
      %swap3A_58 = tpu.vector_load %arg12[%swap3A_57] {strides = array<i32>} : memref<512xi32, #tpu.memory_space<vmem>>, vector<16xi32>,
      tpu.vector_store %arg12[%swap3A_57], %shift_right_logical3A_54 {strides = array<i32>} : memref<512xi32, #tpu.memory_space<vmem>>, vector<16xi32>,
      %scan3A_59 = arith.constant 0 : i32
      scf.yield %scan3A_59 : i32
    }
    %scan3A_8 = arith.constant 32 : i32
    %dma_start3A = arith.constant 0 : i32
    %dma_start3A_9 = arith.constant 0 : i32
    %dma_start3A_10 = tpu.memref_slice %arg4[%dma_start3A, %dma_start3A_9] : memref<1000000x32xf32, #tpu.memory_space<hbm>> -> memref<1000000x32xf32, #tpu.memory_space<hbm>>
    tpu.enqueue_indirect_dma source(%dma_start3A_10 : memref<1000000x32xf32, #tpu.memory_space<hbm>>) target(%arg13 : memref<512x32xf32, #tpu.memory_space<vmem>>) offsets(%arg9 : memref<512xi32, #tpu.memory_space<vmem>>) semaphore(%arg18 : memref<!tpu.dma_semaphore, #tpu.memory_space<semaphore_mem>>)
    %dma_start3A_11 = arith.constant 0 : i32
    %dma_start3A_12 = arith.constant 0 : i32
    %dma_start3A_13 = tpu.memref_slice %arg5[%dma_start3A_11, %dma_start3A_12] : memref<1000000x32xf32, #tpu.memory_space<hbm>> -> memref<1000000x32xf32, #tpu.memory_space<hbm>>
    tpu.enqueue_indirect_dma source(%dma_start3A_13 : memref<1000000x32xf32, #tpu.memory_space<hbm>>) target(%arg14 : memref<512x32xf32, #tpu.memory_space<vmem>>) offsets(%arg10 : memref<512xi32, #tpu.memory_space<vmem>>) semaphore(%arg18 : memref<!tpu.dma_semaphore, #tpu.memory_space<semaphore_mem>>)
    %dma_start3A_14 = arith.constant 0 : i32
    %dma_start3A_15 = arith.constant 0 : i32
    %dma_start3A_16 = tpu.memref_slice %arg6[%dma_start3A_14, %dma_start3A_15] : memref<62500x16xf32, #tpu.memory_space<hbm>> -> memref<62500x16xf32, #tpu.memory_space<hbm>>
    tpu.enqueue_indirect_dma source(%dma_start3A_16 : memref<62500x16xf32, #tpu.memory_space<hbm>>) target(%arg15 : memref<512x16xf32, #tpu.memory_space<vmem>>) offsets(%arg11 : memref<512xi32, #tpu.memory_space<vmem>>) semaphore(%arg18 : memref<!tpu.dma_semaphore, #tpu.memory_space<semaphore_mem>>)
    %dma_start3A_17 = arith.constant 0 : i32
    %dma_start3A_18 = arith.constant 0 : i32
    %dma_start3A_19 = tpu.memref_slice %arg7[%dma_start3A_17, %dma_start3A_18] : memref<62500x16xf32, #tpu.memory_space<hbm>> -> memref<62500x16xf32, #tpu.memory_space<hbm>>
    tpu.enqueue_indirect_dma source(%dma_start3A_19 : memref<62500x16xf32, #tpu.memory_space<hbm>>) target(%arg16 : memref<512x16xf32, #tpu.memory_space<vmem>>) offsets(%arg12 : memref<512xi32, #tpu.memory_space<vmem>>) semaphore(%arg18 : memref<!tpu.dma_semaphore, #tpu.memory_space<semaphore_mem>>)
    %dma_wait3A = arith.constant 0 : i32
    %dma_wait3A_20 = arith.constant 0 : i32
    %dma_wait3A_21 = tpu.memref_slice %arg4[%dma_wait3A, %dma_wait3A_20] : memref<1000000x32xf32, #tpu.memory_space<hbm>> -> memref<1000000x32xf32, #tpu.memory_space<hbm>>
    tpu.wait_indirect_dma semaphore(%arg18 : memref<!tpu.dma_semaphore, #tpu.memory_space<semaphore_mem>>) src(%dma_wait3A_21 : memref<1000000x32xf32, #tpu.memory_space<hbm>>) dst(%arg13 : memref<512x32xf32, #tpu.memory_space<vmem>>)
    %dma_wait3A_22 = arith.constant 0 : i32
    %dma_wait3A_23 = arith.constant 0 : i32
    %dma_wait3A_24 = tpu.memref_slice %arg5[%dma_wait3A_22, %dma_wait3A_23] : memref<1000000x32xf32, #tpu.memory_space<hbm>> -> memref<1000000x32xf32, #tpu.memory_space<hbm>>
    tpu.wait_indirect_dma semaphore(%arg18 : memref<!tpu.dma_semaphore, #tpu.memory_space<semaphore_mem>>) src(%dma_wait3A_24 : memref<1000000x32xf32, #tpu.memory_space<hbm>>) dst(%arg14 : memref<512x32xf32, #tpu.memory_space<vmem>>)
    %dma_wait3A_25 = arith.constant 0 : i32
    %dma_wait3A_26 = arith.constant 0 : i32
    %dma_wait3A_27 = tpu.memref_slice %arg6[%dma_wait3A_25, %dma_wait3A_26] : memref<62500x16xf32, #tpu.memory_space<hbm>> -> memref<62500x16xf32, #tpu.memory_space<hbm>>
    tpu.wait_indirect_dma semaphore(%arg18 : memref<!tpu.dma_semaphore, #tpu.memory_space<semaphore_mem>>) src(%dma_wait3A_27 : memref<62500x16xf32, #tpu.memory_space<hbm>>) dst(%arg15 : memref<512x16xf32, #tpu.memory_space<vmem>>)
    %dma_wait3A_28 = arith.constant 0 : i32
    %dma_wait3A_29 = arith.constant 0 : i32
    %dma_wait3A_30 = tpu.memref_slice %arg7[%dma_wait3A_28, %dma_wait3A_29] : memref<62500x16xf32, #tpu.memory_space<hbm>> -> memref<62500x16xf32, #tpu.memory_space<hbm>>
    tpu.wait_indirect_dma semaphore(%arg18 : memref<!tpu.dma_semaphore, #tpu.memory_space<semaphore_mem>>) src(%dma_wait3A_30 : memref<62500x16xf32, #tpu.memory_space<hbm>>) dst(%arg16 : memref<512x16xf32, #tpu.memory_space<vmem>>)
    %iota3A = tpu.iota {dimensions = array<i32: 0>} : vector<16xi32>
    %scan3A_31 = arith.constant 0 : i32
    %scan3A_32 = arith.constant 0 : i32
    %scan3A_33 = arith.constant 32 : i32
    %scan3A_34 = arith.addi %scan3A_32, %scan3A_33 : i32
    %scan3A_35 = arith.constant 1 : i32
    %scan3A_36 = scf.for %scan3A_38 = %scan3A_32 to %scan3A_34 step %scan3A_35 iter_args(%scan3A_39 = %scan3A_31) -> (i32)  : i32 {
      %mul3A_40 = arith.constant 16 : i32
      %mul3A_41 = arith.muli %scan3A_38, %mul3A_40 : i32
      %add3A_42 = vector.broadcast %mul3A_41 : i32 to vector<16xi32>
      %add3A_43 = arith.addi %iota3A, %add3A_42 : vector<16xi32>
      %mul3A_44 = arith.constant 16 : i32
      %mul3A_45 = arith.muli %scan3A_38, %mul3A_44 : i32
      %get3A = arith.index_cast %mul3A_45 : i32 to index
      %get3A_46 = tpu.vector_load %arg9[%get3A] {strides = array<i32>} : memref<512xi32, #tpu.memory_space<vmem>>, vector<16xi32>,
      %and3A = arith.constant 15 : i32
      %and3A_47 = vector.broadcast %and3A : i32 to vector<16xi32>
      %and3A_48 = arith.andi %get3A_46, %and3A_47 : vector<16xi32>
      %gather3A = tpu.vector_load_idx %arg15[%add3A_43, %and3A_48] : memref<512x16xf32, #tpu.memory_space<vmem>>[vector<16xi32>, vector<16xi32>], vector<16xf32>,
      %mul3A_49 = arith.constant 16 : i32
      %mul3A_50 = arith.muli %scan3A_38, %mul3A_49 : i32
      %get3A_51 = arith.index_cast %mul3A_50 : i32 to index
      %get3A_52 = tpu.vector_load %arg10[%get3A_51] {strides = array<i32>} : memref<512xi32, #tpu.memory_space<vmem>>, vector<16xi32>,
      %and3A_53 = arith.constant 15 : i32
      %and3A_54 = vector.broadcast %and3A_53 : i32 to vector<16xi32>
      %and3A_55 = arith.andi %get3A_52, %and3A_54 : vector<16xi32>
      %gather3A_56 = tpu.vector_load_idx %arg16[%add3A_43, %and3A_55] : memref<512x16xf32, #tpu.memory_space<vmem>>[vector<16xi32>, vector<16xi32>], vector<16xf32>,
      %add3A_57 = arith.addf %gather3A, %gather3A_56 : vector<16xf32>
      %broadcast_in_dim3A = arith.constant 0 : i32
      %broadcast_in_dim3A_58 = vector.broadcast %broadcast_in_dim3A : i32 to vector<16xi32>
      %gather3A_59 = tpu.vector_load_idx %arg13[%add3A_43, %broadcast_in_dim3A_58] : memref<512x32xf32, #tpu.memory_space<vmem>>[vector<16xi32>, vector<16xi32>], vector<16xf32>,
      %gather3A_60 = tpu.vector_load_idx %arg14[%add3A_43, %broadcast_in_dim3A_58] : memref<512x32xf32, #tpu.memory_space<vmem>>[vector<16xi32>, vector<16xi32>], vector<16xf32>,
      %mul3A_61 = arith.mulf %gather3A_59, %gather3A_60 : vector<16xf32>
      %add3A_62 = arith.addf %add3A_57, %mul3A_61 : vector<16xf32>
      %broadcast_in_dim3A_63 = arith.constant 1 : i32
      %broadcast_in_dim3A_64 = vector.broadcast %broadcast_in_dim3A_63 : i32 to vector<16xi32>
      %gather3A_65 = tpu.vector_load_idx %arg13[%add3A_43, %broadcast_in_dim3A_64] : memref<512x32xf32, #tpu.memory_space<vmem>>[vector<16xi32>, vector<16xi32>], vector<16xf32>,
      %gather3A_66 = tpu.vector_load_idx %arg14[%add3A_43, %broadcast_in_dim3A_64] : memref<512x32xf32, #tpu.memory_space<vmem>>[vector<16xi32>, vector<16xi32>], vector<16xf32>,
      %mul3A_67 = arith.mulf %gather3A_65, %gather3A_66 : vector<16xf32>
      %add3A_68 = arith.addf %add3A_62, %mul3A_67 : vector<16xf32>
      %broadcast_in_dim3A_69 = arith.constant 2 : i32
      %broadcast_in_dim3A_70 = vector.broadcast %broadcast_in_dim3A_69 : i32 to vector<16xi32>
      %gather3A_71 = tpu.vector_load_idx %arg13[%add3A_43, %broadcast_in_dim3A_70] : memref<512x32xf32, #tpu.memory_space<vmem>>[vector<16xi32>, vector<16xi32>], vector<16xf32>,
      %gather3A_72 = tpu.vector_load_idx %arg14[%add3A_43, %broadcast_in_dim3A_70] : memref<512x32xf32, #tpu.memory_space<vmem>>[vector<16xi32>, vector<16xi32>], vector<16xf32>,
      %mul3A_73 = arith.mulf %gather3A_71, %gather3A_72 : vector<16xf32>
      %add3A_74 = arith.addf %add3A_68, %mul3A_73 : vector<16xf32>
      %broadcast_in_dim3A_75 = arith.constant 3 : i32
      %broadcast_in_dim3A_76 = vector.broadcast %broadcast_in_dim3A_75 : i32 to vector<16xi32>
      %gather3A_77 = tpu.vector_load_idx %arg13[%add3A_43, %broadcast_in_dim3A_76] : memref<512x32xf32, #tpu.memory_space<vmem>>[vector<16xi32>, vector<16xi32>], vector<16xf32>,
      %gather3A_78 = tpu.vector_load_idx %arg14[%add3A_43, %broadcast_in_dim3A_76] : memref<512x32xf32, #tpu.memory_space<vmem>>[vector<16xi32>, vector<16xi32>], vector<16xf32>,
      %mul3A_79 = arith.mulf %gather3A_77, %gather3A_78 : vector<16xf32>
      %add3A_80 = arith.addf %add3A_74, %mul3A_79 : vector<16xf32>
      %broadcast_in_dim3A_81 = arith.constant 4 : i32
      %broadcast_in_dim3A_82 = vector.broadcast %broadcast_in_dim3A_81 : i32 to vector<16xi32>
      %gather3A_83 = tpu.vector_load_idx %arg13[%add3A_43, %broadcast_in_dim3A_82] : memref<512x32xf32, #tpu.memory_space<vmem>>[vector<16xi32>, vector<16xi32>], vector<16xf32>,
      %gather3A_84 = tpu.vector_load_idx %arg14[%add3A_43, %broadcast_in_dim3A_82] : memref<512x32xf32, #tpu.memory_space<vmem>>[vector<16xi32>, vector<16xi32>], vector<16xf32>,
      %mul3A_85 = arith.mulf %gather3A_83, %gather3A_84 : vector<16xf32>
      %add3A_86 = arith.addf %add3A_80, %mul3A_85 : vector<16xf32>
      %broadcast_in_dim3A_87 = arith.constant 5 : i32
      %broadcast_in_dim3A_88 = vector.broadcast %broadcast_in_dim3A_87 : i32 to vector<16xi32>
      %gather3A_89 = tpu.vector_load_idx %arg13[%add3A_43, %broadcast_in_dim3A_88] : memref<512x32xf32, #tpu.memory_space<vmem>>[vector<16xi32>, vector<16xi32>], vector<16xf32>,
      %gather3A_90 = tpu.vector_load_idx %arg14[%add3A_43, %broadcast_in_dim3A_88] : memref<512x32xf32, #tpu.memory_space<vmem>>[vector<16xi32>, vector<16xi32>], vector<16xf32>,
      %mul3A_91 = arith.mulf %gather3A_89, %gather3A_90 : vector<16xf32>
      %add3A_92 = arith.addf %add3A_86, %mul3A_91 : vector<16xf32>
      %broadcast_in_dim3A_93 = arith.constant 6 : i32
      %broadcast_in_dim3A_94 = vector.broadcast %broadcast_in_dim3A_93 : i32 to vector<16xi32>
      %gather3A_95 = tpu.vector_load_idx %arg13[%add3A_43, %broadcast_in_dim3A_94] : memref<512x32xf32, #tpu.memory_space<vmem>>[vector<16xi32>, vector<16xi32>], vector<16xf32>,
      %gather3A_96 = tpu.vector_load_idx %arg14[%add3A_43, %broadcast_in_dim3A_94] : memref<512x32xf32, #tpu.memory_space<vmem>>[vector<16xi32>, vector<16xi32>], vector<16xf32>,
      %mul3A_97 = arith.mulf %gather3A_95, %gather3A_96 : vector<16xf32>
      %add3A_98 = arith.addf %add3A_92, %mul3A_97 : vector<16xf32>
      %broadcast_in_dim3A_99 = arith.constant 7 : i32
      %broadcast_in_dim3A_100 = vector.broadcast %broadcast_in_dim3A_99 : i32 to vector<16xi32>
      %gather3A_101 = tpu.vector_load_idx %arg13[%add3A_43, %broadcast_in_dim3A_100] : memref<512x32xf32, #tpu.memory_space<vmem>>[vector<16xi32>, vector<16xi32>], vector<16xf32>,
      %gather3A_102 = tpu.vector_load_idx %arg14[%add3A_43, %broadcast_in_dim3A_100] : memref<512x32xf32, #tpu.memory_space<vmem>>[vector<16xi32>, vector<16xi32>], vector<16xf32>,
      %mul3A_103 = arith.mulf %gather3A_101, %gather3A_102 : vector<16xf32>
      %add3A_104 = arith.addf %add3A_98, %mul3A_103 : vector<16xf32>
      %broadcast_in_dim3A_105 = arith.constant 8 : i32
      %broadcast_in_dim3A_106 = vector.broadcast %broadcast_in_dim3A_105 : i32 to vector<16xi32>
      %gather3A_107 = tpu.vector_load_idx %arg13[%add3A_43, %broadcast_in_dim3A_106] : memref<512x32xf32, #tpu.memory_space<vmem>>[vector<16xi32>, vector<16xi32>], vector<16xf32>,
      %gather3A_108 = tpu.vector_load_idx %arg14[%add3A_43, %broadcast_in_dim3A_106] : memref<512x32xf32, #tpu.memory_space<vmem>>[vector<16xi32>, vector<16xi32>], vector<16xf32>,
      %mul3A_109 = arith.mulf %gather3A_107, %gather3A_108 : vector<16xf32>
      %add3A_110 = arith.addf %add3A_104, %mul3A_109 : vector<16xf32>
      %broadcast_in_dim3A_111 = arith.constant 9 : i32
      %broadcast_in_dim3A_112 = vector.broadcast %broadcast_in_dim3A_111 : i32 to vector<16xi32>
      %gather3A_113 = tpu.vector_load_idx %arg13[%add3A_43, %broadcast_in_dim3A_112] : memref<512x32xf32, #tpu.memory_space<vmem>>[vector<16xi32>, vector<16xi32>], vector<16xf32>,
      %gather3A_114 = tpu.vector_load_idx %arg14[%add3A_43, %broadcast_in_dim3A_112] : memref<512x32xf32, #tpu.memory_space<vmem>>[vector<16xi32>, vector<16xi32>], vector<16xf32>,
      %mul3A_115 = arith.mulf %gather3A_113, %gather3A_114 : vector<16xf32>
      %add3A_116 = arith.addf %add3A_110, %mul3A_115 : vector<16xf32>
      %broadcast_in_dim3A_117 = arith.constant 10 : i32
      %broadcast_in_dim3A_118 = vector.broadcast %broadcast_in_dim3A_117 : i32 to vector<16xi32>
      %gather3A_119 = tpu.vector_load_idx %arg13[%add3A_43, %broadcast_in_dim3A_118] : memref<512x32xf32, #tpu.memory_space<vmem>>[vector<16xi32>, vector<16xi32>], vector<16xf32>,
      %gather3A_120 = tpu.vector_load_idx %arg14[%add3A_43, %broadcast_in_dim3A_118] : memref<512x32xf32, #tpu.memory_space<vmem>>[vector<16xi32>, vector<16xi32>], vector<16xf32>,
      %mul3A_121 = arith.mulf %gather3A_119, %gather3A_120 : vector<16xf32>
      %add3A_122 = arith.addf %add3A_116, %mul3A_121 : vector<16xf32>
      %broadcast_in_dim3A_123 = arith.constant 11 : i32
      %broadcast_in_dim3A_124 = vector.broadcast %broadcast_in_dim3A_123 : i32 to vector<16xi32>
      %gather3A_125 = tpu.vector_load_idx %arg13[%add3A_43, %broadcast_in_dim3A_124] : memref<512x32xf32, #tpu.memory_space<vmem>>[vector<16xi32>, vector<16xi32>], vector<16xf32>,
      %gather3A_126 = tpu.vector_load_idx %arg14[%add3A_43, %broadcast_in_dim3A_124] : memref<512x32xf32, #tpu.memory_space<vmem>>[vector<16xi32>, vector<16xi32>], vector<16xf32>,
      %mul3A_127 = arith.mulf %gather3A_125, %gather3A_126 : vector<16xf32>
      %add3A_128 = arith.addf %add3A_122, %mul3A_127 : vector<16xf32>
      %broadcast_in_dim3A_129 = arith.constant 12 : i32
      %broadcast_in_dim3A_130 = vector.broadcast %broadcast_in_dim3A_129 : i32 to vector<16xi32>
      %gather3A_131 = tpu.vector_load_idx %arg13[%add3A_43, %broadcast_in_dim3A_130] : memref<512x32xf32, #tpu.memory_space<vmem>>[vector<16xi32>, vector<16xi32>], vector<16xf32>,
      %gather3A_132 = tpu.vector_load_idx %arg14[%add3A_43, %broadcast_in_dim3A_130] : memref<512x32xf32, #tpu.memory_space<vmem>>[vector<16xi32>, vector<16xi32>], vector<16xf32>,
      %mul3A_133 = arith.mulf %gather3A_131, %gather3A_132 : vector<16xf32>
      %add3A_134 = arith.addf %add3A_128, %mul3A_133 : vector<16xf32>
      %broadcast_in_dim3A_135 = arith.constant 13 : i32
      %broadcast_in_dim3A_136 = vector.broadcast %broadcast_in_dim3A_135 : i32 to vector<16xi32>
      %gather3A_137 = tpu.vector_load_idx %arg13[%add3A_43, %broadcast_in_dim3A_136] : memref<512x32xf32, #tpu.memory_space<vmem>>[vector<16xi32>, vector<16xi32>], vector<16xf32>,
      %gather3A_138 = tpu.vector_load_idx %arg14[%add3A_43, %broadcast_in_dim3A_136] : memref<512x32xf32, #tpu.memory_space<vmem>>[vector<16xi32>, vector<16xi32>], vector<16xf32>,
      %mul3A_139 = arith.mulf %gather3A_137, %gather3A_138 : vector<16xf32>
      %add3A_140 = arith.addf %add3A_134, %mul3A_139 : vector<16xf32>
      %broadcast_in_dim3A_141 = arith.constant 14 : i32
      %broadcast_in_dim3A_142 = vector.broadcast %broadcast_in_dim3A_141 : i32 to vector<16xi32>
      %gather3A_143 = tpu.vector_load_idx %arg13[%add3A_43, %broadcast_in_dim3A_142] : memref<512x32xf32, #tpu.memory_space<vmem>>[vector<16xi32>, vector<16xi32>], vector<16xf32>,
      %gather3A_144 = tpu.vector_load_idx %arg14[%add3A_43, %broadcast_in_dim3A_142] : memref<512x32xf32, #tpu.memory_space<vmem>>[vector<16xi32>, vector<16xi32>], vector<16xf32>,
      %mul3A_145 = arith.mulf %gather3A_143, %gather3A_144 : vector<16xf32>
      %add3A_146 = arith.addf %add3A_140, %mul3A_145 : vector<16xf32>
      %broadcast_in_dim3A_147 = arith.constant 15 : i32
      %broadcast_in_dim3A_148 = vector.broadcast %broadcast_in_dim3A_147 : i32 to vector<16xi32>
      %gather3A_149 = tpu.vector_load_idx %arg13[%add3A_43, %broadcast_in_dim3A_148] : memref<512x32xf32, #tpu.memory_space<vmem>>[vector<16xi32>, vector<16xi32>], vector<16xf32>,
      %gather3A_150 = tpu.vector_load_idx %arg14[%add3A_43, %broadcast_in_dim3A_148] : memref<512x32xf32, #tpu.memory_space<vmem>>[vector<16xi32>, vector<16xi32>], vector<16xf32>,
      %mul3A_151 = arith.mulf %gather3A_149, %gather3A_150 : vector<16xf32>
      %add3A_152 = arith.addf %add3A_146, %mul3A_151 : vector<16xf32>
      %broadcast_in_dim3A_153 = arith.constant 16 : i32
      %broadcast_in_dim3A_154 = vector.broadcast %broadcast_in_dim3A_153 : i32 to vector<16xi32>
      %gather3A_155 = tpu.vector_load_idx %arg13[%add3A_43, %broadcast_in_dim3A_154] : memref<512x32xf32, #tpu.memory_space<vmem>>[vector<16xi32>, vector<16xi32>], vector<16xf32>,
      %gather3A_156 = tpu.vector_load_idx %arg14[%add3A_43, %broadcast_in_dim3A_154] : memref<512x32xf32, #tpu.memory_space<vmem>>[vector<16xi32>, vector<16xi32>], vector<16xf32>,
      %mul3A_157 = arith.mulf %gather3A_155, %gather3A_156 : vector<16xf32>
      %add3A_158 = arith.addf %add3A_152, %mul3A_157 : vector<16xf32>
      %broadcast_in_dim3A_159 = arith.constant 17 : i32
      %broadcast_in_dim3A_160 = vector.broadcast %broadcast_in_dim3A_159 : i32 to vector<16xi32>
      %gather3A_161 = tpu.vector_load_idx %arg13[%add3A_43, %broadcast_in_dim3A_160] : memref<512x32xf32, #tpu.memory_space<vmem>>[vector<16xi32>, vector<16xi32>], vector<16xf32>,
      %gather3A_162 = tpu.vector_load_idx %arg14[%add3A_43, %broadcast_in_dim3A_160] : memref<512x32xf32, #tpu.memory_space<vmem>>[vector<16xi32>, vector<16xi32>], vector<16xf32>,
      %mul3A_163 = arith.mulf %gather3A_161, %gather3A_162 : vector<16xf32>
      %add3A_164 = arith.addf %add3A_158, %mul3A_163 : vector<16xf32>
      %broadcast_in_dim3A_165 = arith.constant 18 : i32
      %broadcast_in_dim3A_166 = vector.broadcast %broadcast_in_dim3A_165 : i32 to vector<16xi32>
      %gather3A_167 = tpu.vector_load_idx %arg13[%add3A_43, %broadcast_in_dim3A_166] : memref<512x32xf32, #tpu.memory_space<vmem>>[vector<16xi32>, vector<16xi32>], vector<16xf32>,
      %gather3A_168 = tpu.vector_load_idx %arg14[%add3A_43, %broadcast_in_dim3A_166] : memref<512x32xf32, #tpu.memory_space<vmem>>[vector<16xi32>, vector<16xi32>], vector<16xf32>,
      %mul3A_169 = arith.mulf %gather3A_167, %gather3A_168 : vector<16xf32>
      %add3A_170 = arith.addf %add3A_164, %mul3A_169 : vector<16xf32>
      %broadcast_in_dim3A_171 = arith.constant 19 : i32
      %broadcast_in_dim3A_172 = vector.broadcast %broadcast_in_dim3A_171 : i32 to vector<16xi32>
      %gather3A_173 = tpu.vector_load_idx %arg13[%add3A_43, %broadcast_in_dim3A_172] : memref<512x32xf32, #tpu.memory_space<vmem>>[vector<16xi32>, vector<16xi32>], vector<16xf32>,
      %gather3A_174 = tpu.vector_load_idx %arg14[%add3A_43, %broadcast_in_dim3A_172] : memref<512x32xf32, #tpu.memory_space<vmem>>[vector<16xi32>, vector<16xi32>], vector<16xf32>,
      %mul3A_175 = arith.mulf %gather3A_173, %gather3A_174 : vector<16xf32>
      %add3A_176 = arith.addf %add3A_170, %mul3A_175 : vector<16xf32>
      %broadcast_in_dim3A_177 = arith.constant 20 : i32
      %broadcast_in_dim3A_178 = vector.broadcast %broadcast_in_dim3A_177 : i32 to vector<16xi32>
      %gather3A_179 = tpu.vector_load_idx %arg13[%add3A_43, %broadcast_in_dim3A_178] : memref<512x32xf32, #tpu.memory_space<vmem>>[vector<16xi32>, vector<16xi32>], vector<16xf32>,
      %gather3A_180 = tpu.vector_load_idx %arg14[%add3A_43, %broadcast_in_dim3A_178] : memref<512x32xf32, #tpu.memory_space<vmem>>[vector<16xi32>, vector<16xi32>], vector<16xf32>,
      %mul3A_181 = arith.mulf %gather3A_179, %gather3A_180 : vector<16xf32>
      %add3A_182 = arith.addf %add3A_176, %mul3A_181 : vector<16xf32>
      %broadcast_in_dim3A_183 = arith.constant 21 : i32
      %broadcast_in_dim3A_184 = vector.broadcast %broadcast_in_dim3A_183 : i32 to vector<16xi32>
      %gather3A_185 = tpu.vector_load_idx %arg13[%add3A_43, %broadcast_in_dim3A_184] : memref<512x32xf32, #tpu.memory_space<vmem>>[vector<16xi32>, vector<16xi32>], vector<16xf32>,
      %gather3A_186 = tpu.vector_load_idx %arg14[%add3A_43, %broadcast_in_dim3A_184] : memref<512x32xf32, #tpu.memory_space<vmem>>[vector<16xi32>, vector<16xi32>], vector<16xf32>,
      %mul3A_187 = arith.mulf %gather3A_185, %gather3A_186 : vector<16xf32>
      %add3A_188 = arith.addf %add3A_182, %mul3A_187 : vector<16xf32>
      %broadcast_in_dim3A_189 = arith.constant 22 : i32
      %broadcast_in_dim3A_190 = vector.broadcast %broadcast_in_dim3A_189 : i32 to vector<16xi32>
      %gather3A_191 = tpu.vector_load_idx %arg13[%add3A_43, %broadcast_in_dim3A_190] : memref<512x32xf32, #tpu.memory_space<vmem>>[vector<16xi32>, vector<16xi32>], vector<16xf32>,
      %gather3A_192 = tpu.vector_load_idx %arg14[%add3A_43, %broadcast_in_dim3A_190] : memref<512x32xf32, #tpu.memory_space<vmem>>[vector<16xi32>, vector<16xi32>], vector<16xf32>,
      %mul3A_193 = arith.mulf %gather3A_191, %gather3A_192 : vector<16xf32>
      %add3A_194 = arith.addf %add3A_188, %mul3A_193 : vector<16xf32>
      %broadcast_in_dim3A_195 = arith.constant 23 : i32
      %broadcast_in_dim3A_196 = vector.broadcast %broadcast_in_dim3A_195 : i32 to vector<16xi32>
      %gather3A_197 = tpu.vector_load_idx %arg13[%add3A_43, %broadcast_in_dim3A_196] : memref<512x32xf32, #tpu.memory_space<vmem>>[vector<16xi32>, vector<16xi32>], vector<16xf32>,
      %gather3A_198 = tpu.vector_load_idx %arg14[%add3A_43, %broadcast_in_dim3A_196] : memref<512x32xf32, #tpu.memory_space<vmem>>[vector<16xi32>, vector<16xi32>], vector<16xf32>,
      %mul3A_199 = arith.mulf %gather3A_197, %gather3A_198 : vector<16xf32>
      %add3A_200 = arith.addf %add3A_194, %mul3A_199 : vector<16xf32>
      %broadcast_in_dim3A_201 = arith.constant 24 : i32
      %broadcast_in_dim3A_202 = vector.broadcast %broadcast_in_dim3A_201 : i32 to vector<16xi32>
      %gather3A_203 = tpu.vector_load_idx %arg13[%add3A_43, %broadcast_in_dim3A_202] : memref<512x32xf32, #tpu.memory_space<vmem>>[vector<16xi32>, vector<16xi32>], vector<16xf32>,
      %gather3A_204 = tpu.vector_load_idx %arg14[%add3A_43, %broadcast_in_dim3A_202] : memref<512x32xf32, #tpu.memory_space<vmem>>[vector<16xi32>, vector<16xi32>], vector<16xf32>,
      %mul3A_205 = arith.mulf %gather3A_203, %gather3A_204 : vector<16xf32>
      %add3A_206 = arith.addf %add3A_200, %mul3A_205 : vector<16xf32>
      %broadcast_in_dim3A_207 = arith.constant 25 : i32
      %broadcast_in_dim3A_208 = vector.broadcast %broadcast_in_dim3A_207 : i32 to vector<16xi32>
      %gather3A_209 = tpu.vector_load_idx %arg13[%add3A_43, %broadcast_in_dim3A_208] : memref<512x32xf32, #tpu.memory_space<vmem>>[vector<16xi32>, vector<16xi32>], vector<16xf32>,
      %gather3A_210 = tpu.vector_load_idx %arg14[%add3A_43, %broadcast_in_dim3A_208] : memref<512x32xf32, #tpu.memory_space<vmem>>[vector<16xi32>, vector<16xi32>], vector<16xf32>,
      %mul3A_211 = arith.mulf %gather3A_209, %gather3A_210 : vector<16xf32>
      %add3A_212 = arith.addf %add3A_206, %mul3A_211 : vector<16xf32>
      %broadcast_in_dim3A_213 = arith.constant 26 : i32
      %broadcast_in_dim3A_214 = vector.broadcast %broadcast_in_dim3A_213 : i32 to vector<16xi32>
      %gather3A_215 = tpu.vector_load_idx %arg13[%add3A_43, %broadcast_in_dim3A_214] : memref<512x32xf32, #tpu.memory_space<vmem>>[vector<16xi32>, vector<16xi32>], vector<16xf32>,
      %gather3A_216 = tpu.vector_load_idx %arg14[%add3A_43, %broadcast_in_dim3A_214] : memref<512x32xf32, #tpu.memory_space<vmem>>[vector<16xi32>, vector<16xi32>], vector<16xf32>,
      %mul3A_217 = arith.mulf %gather3A_215, %gather3A_216 : vector<16xf32>
      %add3A_218 = arith.addf %add3A_212, %mul3A_217 : vector<16xf32>
      %broadcast_in_dim3A_219 = arith.constant 27 : i32
      %broadcast_in_dim3A_220 = vector.broadcast %broadcast_in_dim3A_219 : i32 to vector<16xi32>
      %gather3A_221 = tpu.vector_load_idx %arg13[%add3A_43, %broadcast_in_dim3A_220] : memref<512x32xf32, #tpu.memory_space<vmem>>[vector<16xi32>, vector<16xi32>], vector<16xf32>,
      %gather3A_222 = tpu.vector_load_idx %arg14[%add3A_43, %broadcast_in_dim3A_220] : memref<512x32xf32, #tpu.memory_space<vmem>>[vector<16xi32>, vector<16xi32>], vector<16xf32>,
      %mul3A_223 = arith.mulf %gather3A_221, %gather3A_222 : vector<16xf32>
      %add3A_224 = arith.addf %add3A_218, %mul3A_223 : vector<16xf32>
      %broadcast_in_dim3A_225 = arith.constant 28 : i32
      %broadcast_in_dim3A_226 = vector.broadcast %broadcast_in_dim3A_225 : i32 to vector<16xi32>
      %gather3A_227 = tpu.vector_load_idx %arg13[%add3A_43, %broadcast_in_dim3A_226] : memref<512x32xf32, #tpu.memory_space<vmem>>[vector<16xi32>, vector<16xi32>], vector<16xf32>,
      %gather3A_228 = tpu.vector_load_idx %arg14[%add3A_43, %broadcast_in_dim3A_226] : memref<512x32xf32, #tpu.memory_space<vmem>>[vector<16xi32>, vector<16xi32>], vector<16xf32>,
      %mul3A_229 = arith.mulf %gather3A_227, %gather3A_228 : vector<16xf32>
      %add3A_230 = arith.addf %add3A_224, %mul3A_229 : vector<16xf32>
      %broadcast_in_dim3A_231 = arith.constant 29 : i32
      %broadcast_in_dim3A_232 = vector.broadcast %broadcast_in_dim3A_231 : i32 to vector<16xi32>
      %gather3A_233 = tpu.vector_load_idx %arg13[%add3A_43, %broadcast_in_dim3A_232] : memref<512x32xf32, #tpu.memory_space<vmem>>[vector<16xi32>, vector<16xi32>], vector<16xf32>,
      %gather3A_234 = tpu.vector_load_idx %arg14[%add3A_43, %broadcast_in_dim3A_232] : memref<512x32xf32, #tpu.memory_space<vmem>>[vector<16xi32>, vector<16xi32>], vector<16xf32>,
      %mul3A_235 = arith.mulf %gather3A_233, %gather3A_234 : vector<16xf32>
      %add3A_236 = arith.addf %add3A_230, %mul3A_235 : vector<16xf32>
      %broadcast_in_dim3A_237 = arith.constant 30 : i32
      %broadcast_in_dim3A_238 = vector.broadcast %broadcast_in_dim3A_237 : i32 to vector<16xi32>
      %gather3A_239 = tpu.vector_load_idx %arg13[%add3A_43, %broadcast_in_dim3A_238] : memref<512x32xf32, #tpu.memory_space<vmem>>[vector<16xi32>, vector<16xi32>], vector<16xf32>,
      %gather3A_240 = tpu.vector_load_idx %arg14[%add3A_43, %broadcast_in_dim3A_238] : memref<512x32xf32, #tpu.memory_space<vmem>>[vector<16xi32>, vector<16xi32>], vector<16xf32>,
      %mul3A_241 = arith.mulf %gather3A_239, %gather3A_240 : vector<16xf32>
      %add3A_242 = arith.addf %add3A_236, %mul3A_241 : vector<16xf32>
      %broadcast_in_dim3A_243 = arith.constant 31 : i32
      %broadcast_in_dim3A_244 = vector.broadcast %broadcast_in_dim3A_243 : i32 to vector<16xi32>
      %gather3A_245 = tpu.vector_load_idx %arg13[%add3A_43, %broadcast_in_dim3A_244] : memref<512x32xf32, #tpu.memory_space<vmem>>[vector<16xi32>, vector<16xi32>], vector<16xf32>,
      %gather3A_246 = tpu.vector_load_idx %arg14[%add3A_43, %broadcast_in_dim3A_244] : memref<512x32xf32, #tpu.memory_space<vmem>>[vector<16xi32>, vector<16xi32>], vector<16xf32>,
      %mul3A_247 = arith.mulf %gather3A_245, %gather3A_246 : vector<16xf32>
      %add3A_248 = arith.addf %add3A_242, %mul3A_247 : vector<16xf32>
      %neg3A = arith.constant 0.000000e+00 : f32
      %neg3A_249 = vector.broadcast %neg3A : f32 to vector<16xf32>
      %neg3A_250 = arith.subf %neg3A_249, %add3A_248 : vector<16xf32>
      %exp3A = math.exp %neg3A_250 : vector<16xf32>
      %add3A_251 = arith.constant 1.000000e+00 : f32
      %add3A_252 = vector.broadcast %add3A_251 : f32 to vector<16xf32>
      %add3A_253 = arith.addf %add3A_252, %exp3A : vector<16xf32>
      %div3A = arith.constant 5.000000e+00 : f32
      %div3A_254 = vector.broadcast %div3A : f32 to vector<16xf32>
      %div3A_255 = arith.divf %div3A_254, %add3A_253 : vector<16xf32>
      %mul3A_256 = arith.constant 16 : i32
      %mul3A_257 = arith.muli %scan3A_38, %mul3A_256 : i32
      %swap3A = arith.index_cast %mul3A_257 : i32 to index
      %swap3A_258 = tpu.vector_load %arg17[%swap3A] {strides = array<i32>} : memref<512xf32, #tpu.memory_space<vmem>>, vector<16xf32>,
      tpu.vector_store %arg17[%swap3A], %div3A_255 {strides = array<i32>} : memref<512xf32, #tpu.memory_space<vmem>>, vector<16xf32>,
      %scan3A_259 = arith.constant 0 : i32
      scf.yield %scan3A_259 : i32
    }
    %scan3A_37 = arith.constant 32 : i32
    "tpu.region"() ({
      %run_scoped3A = tpu.sem_alloc : memref<!tpu.dma_semaphore, #tpu.memory_space<semaphore_mem>>
      %dma_start3A_38 = tpu.memref_slice %arg8[%mul3A_2] : memref<16384xf32, #tpu.memory_space<hbm>> -> memref<512xf32, #tpu.memory_space<hbm>>
      %dma_start3A_39 = tpu.memref_slice %arg8[%mul3A_2] : memref<16384xf32, #tpu.memory_space<hbm>> -> memref<512xf32, #tpu.memory_space<hbm>>
      tpu.enqueue_dma source(%arg17 : memref<512xf32, #tpu.memory_space<vmem>>) target(%dma_start3A_39 : memref<512xf32, #tpu.memory_space<hbm>>) target_semaphore(%run_scoped3A : memref<!tpu.dma_semaphore, #tpu.memory_space<semaphore_mem>>)
      %dma_wait3A_40 = tpu.memref_slice %arg8[%mul3A_2] : memref<16384xf32, #tpu.memory_space<hbm>> -> memref<512xf32, #tpu.memory_space<hbm>>
      %dma_wait3A_41 = tpu.memref_slice %arg8[%mul3A_2] : memref<16384xf32, #tpu.memory_space<hbm>> -> memref<512xf32, #tpu.memory_space<hbm>>
      tpu.wait_dma2 semaphore(%run_scoped3A : memref<!tpu.dma_semaphore, #tpu.memory_space<semaphore_mem>>) src(%arg17 : memref<512xf32, #tpu.memory_space<vmem>>) dst(%dma_wait3A_41 : memref<512xf32, #tpu.memory_space<hbm>>)
      tpu.yield
    }) : () -> ()
    return
  }
}

</mosaic_0001>

<sc_bundles>
// kernel: _mf_call.3.cloned.1.call-start
scs
__scs_entry_jumppad:
0x0: {  	(pc) =	sbr.rel $0x88, $3  }
0x1: {  	(tag) =	ssettag $0x0;
	lr =	simm.s32 $0x1  }
0x2: {  	[smem:$0x3F9B] =	sst lr;
	_ =	strace $0xD0000000  }
0x3: {  	_ = 	snop  }
0x4: {  	_ = 	snop  }
0x5: {  	_ = 	snop  }
0x6: {  	_ = 	snop  }
0x7: {  	_ = 	snop  }
__scs_overlays_trampoline_lowered:
0x8: {  	[smem:$0x3FAA] =	sst s0  }
0x9: {  	[smem:$0x3FAB] =	sst s1  }
0xa: {  	[smem:$0x3FAC] =	sst s2  }
0xb: {  	[smem:$0x3FAD] =	sst s3  }
0xc: {  	[smem:$0x3FAE] =	sst s4  }
0xd: {  	[smem:$0x3FAF] =	sst s5  }
0xe: {  	[smem:$0x3FB0] =	sst s6  }
0xf: {  	[smem:$0x3FB1] =	sst s7  }
0x10: {  	[smem:$0x3FB2] =	sst s8  }
0x11: {  	[smem:$0x3FB3] =	sst s9;
	s0 =	simm.s32 @!p0 $0x0  }
0x12: {  	s1 =	sld [smem:$0x3F99];
	s0 =	simm.s32 @p0 $0x1  }
0x13: {  	[smem:$0x3FB4] =	sst s0;
	s0 =	simm.s32 @!p1 $0x0  }
0x14: {  	s2 =	sld [smem:$0x3F98];
	s0 =	simm.s32 @p1 $0x1  }
0x15: {  	[smem:$0x3FB5] =	sst s0;
	s0 =	simm.s32 @!p2 $0x0  }
0x16: {  	s3 =	sld [smem:$0x3FDB];
	s0 =	simm.s32 @p2 $0x1  }
0x17: {  	s4 =	simm.s32 $0x1BF5;
	[smem:$0x3FB7] =	sst s0  }
0x18: {  	s0 =	sld [smem:$0x3F9A];
	_ =	swait.ge [sflag:s4], $0x0  }
0x19: {  	s7 =	sld [smem:$0x3F9B]  }
0x1a: {  	s8 =	sadd.s32 $0xFFFFE003, lr  }
0x1b: {  	s9 =	sadd.s32 $0xFFFFFEF7, lr;
	s5 =	simm.s32 $0xFFFFFFFF;
	p2 =	slt.u32 s8, $0xFFFFF086  }
0x1c: {  	p1 =	slt.u32 s9, $0xF7A;
	s5 =	simm.s32 @!p2 $0x0  }
0x1d: {  	s5 =	simm.s32 @p1 $0x1;
	p0 =	seq.s32 s7, s2  }
0x1e: {  	s7 =	smul.u32 @!p0 $0xF7A, s2;
	p2 =	seq.s32 @!p0 s5, $0x0  }
0x1f: {  	s9 =	smul.u32 $0xF7A, s1;
	s8 =	simm.s32 @!p0 $0x1BF5;
	p2 =	por !p2, p0  }
0x20: {  	[sflag:s8] =	ssyncset.s32 @!p0 $0xFFFFF086;
	s6 =	sadd.s32 @!p0 s3, s7;
	s7 =	simm.s32 @!p0 $0x108  }
0x21: {  	s3 =	sadd.s32 s3, s9;
	s6 =	sadd.s32 @!p0 $0x88, s6;
	s7 =	simm.s32 @p2 $0x1082  }
0x22: {  	[simem:s7], [sflag:s8] =	dma.local @!p0 [hbm:s6], $0xF7A  }
0x23: {  	s9 =	sor.u32 $0xD0000000, s2;
	s6 =	simm.s32 $0x108;
	_ =	swait.ge @!p0 [sflag:s8], $0x0  }
0x24: {  	s3 =	sadd.s32 $0x88, s3;
	s6 =	simm.s32 @!p1 $0x1082;
	[sflag:s4] =	ssyncset.s32 $0xFFFFF086  }
0x25: {  	[simem:s6], [sflag:s4] =	dma.local [hbm:s3], $0xF7A  }
0x26: {  	[smem:$0x3F9B] =	sst s1;
	(tag) =	ssettag s2;
	_ =	strace s9  }
0x27: {  	s1 =	sld [smem:$0x3FAB]  }
0x28: {  	s2 =	sld [smem:$0x3FAC]  }
0x29: {  	s4 =	sld [smem:$0x3FAE]  }
0x2a: {  	p0 =	seq.s32 s5, $0x0;
	s5 =	sld [smem:$0x3FAF]  }
0x2b: {  	s6 =	sld [smem:$0x3FB0]  }
0x2c: {  	s7 =	sld [smem:$0x3FB1]  }
0x2d: {  	s3 =	simm.s32 $0x108;
	s8 =	sld [smem:$0x3FB2]  }
0x2e: {  	s3 =	simm.s32 @!p0 $0x1082;
	s9 =	sld [smem:$0x3FB3]  }
0x2f: {  	lr =	sadd.s32 s0, s3;
	s0 =	sld [smem:$0x3FAA]  }
0x30: {  	s3 =	sld [smem:$0x3FAD]  }
0x31: {  	[smem:$0x3FB6] =	sst s10  }
0x32: {  	s10 =	sld [smem:$0x3FB4];
	_ =	sdelay $0x3  }
0x33: {  	p0 =	seq.s32 s10, $0x1;
	s10 =	sld [smem:$0x3FB6];
	_ =	sdelay $0x3  }
0x34: {  	[smem:$0x3FB6] =	sst s10  }
0x35: {  	s10 =	sld [smem:$0x3FB5];
	_ =	sdelay $0x3  }
0x36: {  	p1 =	seq.s32 s10, $0x1;
	s10 =	sld [smem:$0x3FB6];
	_ =	sdelay $0x3  }
0x37: {  	[smem:$0x3FB6] =	sst s10  }
0x38: {  	s10 =	sld [smem:$0x3FB7]  }
0x39: {  	_ = 	snop;
	(pc) =	sbr.ind lr, $3  }
0x3a: {  	_ = 	snop  }
0x3b: {  	_ = 	snop  }
0x3c: {  	p2 =	seq.s32 s10, $0x1;
	s10 =	sld [smem:$0x3FB6]  }
0x3d: {  	_ =	shalt  }
0x3e: {  	_ =	shalt  }
0x3f: {  	_ =	shalt  }
0x40: {  	_ =	shalt  }
0x41: {  	_ =	shalt  }
0x42: {  	_ =	shalt  }
0x43: {  	_ =	shalt  }
0x44: {  	_ =	shalt  }
0x45: {  	_ =	shalt  }
0x46: {  	_ =	shalt  }
0x47: {  	_ =	shalt  }
0x48: {  	_ =	shalt  }
0x49: {  	_ =	shalt  }
0x4a: {  	_ =	shalt  }
0x4b: {  	_ =	shalt  }
0x4c: {  	_ =	shalt  }
0x4d: {  	_ =	shalt  }
0x4e: {  	_ =	shalt  }
0x4f: {  	_ =	shalt  }
0x50: {  	_ =	shalt  }
0x51: {  	_ =	shalt  }
0x52: {  	_ =	shalt  }
0x53: {  	_ =	shalt  }
0x54: {  	_ =	shalt  }
0x55: {  	_ =	shalt  }
0x56: {  	_ =	shalt  }
0x57: {  	_ =	shalt  }
0x58: {  	_ =	shalt  }
0x59: {  	_ =	shalt  }
0x5a: {  	_ =	shalt  }
0x5b: {  	_ =	shalt  }
0x5c: {  	_ =	shalt  }
0x5d: {  	_ =	shalt  }
0x5e: {  	_ =	shalt  }
0x5f: {  	_ =	shalt  }
0x60: {  	_ =	shalt  }
0x61: {  	_ =	shalt  }
0x62: {  	_ =	shalt  }
0x63: {  	_ =	shalt  }
0x64: {  	_ =	shalt  }
0x65: {  	_ =	shalt  }
0x66: {  	_ =	shalt  }
0x67: {  	_ =	shalt  }
0x68: {  	_ =	shalt  }
0x69: {  	_ =	shalt  }
0x6a: {  	_ =	shalt  }
0x6b: {  	_ =	shalt  }
0x6c: {  	_ =	shalt  }
0x6d: {  	_ =	shalt  }
0x6e: {  	_ =	shalt  }
0x6f: {  	_ =	shalt  }
0x70: {  	_ =	shalt  }
0x71: {  	_ =	shalt  }
0x72: {  	_ =	shalt  }
0x73: {  	_ =	shalt  }
0x74: {  	_ =	shalt  }
0x75: {  	_ =	shalt  }
0x76: {  	_ =	shalt  }
0x77: {  	_ =	shalt  }
0x78: {  	_ =	shalt  }
0x79: {  	_ =	shalt  }
0x7a: {  	_ =	shalt  }
0x7b: {  	_ =	shalt  }
0x7c: {  	_ =	shalt  }
0x7d: {  	_ =	shalt  }
0x7e: {  	_ =	shalt  }
0x7f: {  	_ =	shalt  }
0x80: {  	_ =	shalt  }
0x81: {  	_ =	shalt  }
0x82: {  	_ =	shalt  }
0x83: {  	_ =	shalt  }
0x84: {  	_ =	shalt  }
0x85: {  	_ =	shalt  }
0x86: {  	_ =	shalt  }
0x87: {  	_ =	shalt  }
.Lfunc_end0:
.L_simem_size_0:
called_computation_lowered:
.L_overlay_start_0:
0x88: {  	s2 =	sld [smem:$0x3FD9]  }
0x89: {  	s3 =	sld [smem:$0x3FFE];
	_ =	sdelay $0x1  }
0x8a: {  	s1 =	srdreg.scid  }
0x8b: {  	s0 =	sand.u32 $0x1, s1  }
0x8c: {  	s17 =	sshll.u32 s0, $0xA;
	s2 =	sadd.s32 s3, s2  }
0x8d: {  	s2 =	sadd.s32 s2, s17  }
0x8e: {  	[smem:$0x3FC2] =	sst s2  }
0x8f: {  	_ = 	snop  }
0x90: {  	s2 =	sld [smem:$0x3FC9]  }
0x91: {  	s18 =	sld [smem:$0x3FC8]  }
0x92: {  	s4 =	sld [smem:$0x3FD0];
	(tm) =	ssettm $0x1  }
0x93: {  	s5 =	sld [smem:$0x3FFB];
	_ =	sdelay $0x3  }
0x94: {  	_ =	strace s5  }
0x95: {  	s5 =	sld [smem:$0x3FFC];
	_ =	sdelay $0x3  }
0x96: {  	_ =	strace s5  }
0x97: {  	s5 =	sld [smem:$0x3FFD];
	_ =	sdelay $0x3  }
0x98: {  	_ =	strace s5  }
0x99: {  	_ =	strace $0x8FFFFFFF  }
0x9a: {  	s19 =	sld [smem:$0x3FDB];
	_ =	sdelay $0x1  }
0x9b: {  	s6 =	simm.s32 $_scs_section_size  }
0x9c: {  	s7 =	simm.s32 $_size__tile_overlayer_lowered;
	s8 =	simm.s32 $_tile_overlayer_lowered  }
0x9d: {  	s22 =	simm.s32 $0x1BFF;
	s21 =	sshll.u32 s8, $0x1;
	s5 =	sadd.s32 s6, s19  }
0x9e: {  	s9 =	simm.s32 $0x0;
	s20 =	sshll.u32 s7, $0x1;
	s7 =	sadd.s32 s21, s5  }
0x9f: {  	[timem:s9], [sflag:s22] =	dma.local [hbm:s7], s20  }
0xa0: {  	_ =	swait.ge [sflag:s22], s20  }
0xa1: {  	s6 =	ssub.s32 $0x0, s20;
	[sflag:s22] =	ssyncset.done $0x0  }
0xa2: {  	[sflag:s22] =	ssyncadd.s32 s6;
	_ =	sdelay $0x1  }
0xa3: {  	s23 =	simm.s32 $0x1B8B  }
0xa4: {  	_ =	swait.ge [sflag:s23], $0x1  }
0xa5: {  	[sflag:s23] =	ssyncset.done $0x0  }
0xa6: {  	s25 =	simm.s32 $0x1B8E;
	s24 =	sld [smem:$0x3FFE];
	[sflag:s23] =	ssyncadd.s32 $0xFFFFFFFF  }
0xa7: {  	s26 =	simm.s32 $execute0_lowered;
	[smem:$0x3FD2] =	sst s25  }
0xa8: {  	s7 =	sshll.u32 s26, $0x1;
	_ =	strace $0x80000046;
	[dreg:$0x1] =	wrdreg $0xFFFFFFFF  }
0xa9: {  	s28 =	simm.s32 $_size_execute0_lowered;
	s5 =	sadd.s32 s5, s7;
	[dreg:$0x0] =	wrdreg $0x0  }
0xaa: {  	s7 =	sshll.u32 s28, $0x1;
	[dreg:$0x2] =	wrdreg s5  }
0xab: {  	[dreg:$0x3] =	wrdreg s7  }
0xac: {  	[dreg:$0x4] =	wrdreg $0xC0  }
0xad: {  	_ =	task [dreg:s9], $0x5FFFF  }
0xae: {  	[dreg:$0x1] =	wrdreg $0xFFFFFFFF  }
0xaf: {  	[dreg:$0x0] =	wrdreg $0x60  }
0xb0: {  	[dreg:$0x2] =	wrdreg s2  }
0xb1: {  	[dreg:$0x3] =	wrdreg s18  }
0xb2: {  	[dreg:$0x4] =	wrdreg s24  }
0xb3: {  	[dreg:$0x5] =	wrdreg s4  }
0xb4: {  	[dreg:$0x6] =	wrdreg $0x9  }
0xb5: {  	_ =	task.clear_ibuf [dreg:s9], $0x7FFFF;
	_ =	strace $0x90000046  }
0xb6: {  	s29 =	simm.s32 $0x9;
	_ =	strace $0x80000048  }
0xb7: {  	_ =	swait.ge [sflag:s29], $0x1  }
0xb8: {  	[sflag:s29] =	ssyncadd.s32 $0xFFFFFFFF  }
0xb9: {  	_ =	strace $0x90000048  }
0xba: {  	_ =	sfence  }
0xbb: {  	s30 =	sld [smem:$0x0];
	_ =	sdelay $0x2  }
0xbc: {  	s31 =	sshll.u32 s1, $0xD;
	s1 =	sshrl.u32 s1, $0x2  }
0xbd: {  	s3 =	sand.u32 $0x4000, s31;
	s1 =	sadd.s32 s1, s30  }
0xbe: {  	s0 =	sor.u32 s3, s0;
	s1 =	sshll.u32 s1, $0x11  }
0xbf: {  	s0 =	sor.u32 s1, s0  }
0xc0: {  	s0 =	sadd.s32 $0x8F2B, s0  }
0xc1: {  	[sflag:s0] =	ssyncadd.remote.s32 $0x1  }
0xc2: {  	_ =	sfence.sel $0xFFFF  }
0xc3: {  	[dreg:$0x0] =	wrdreg $0xFFFFFFFF;
	(pc) =	sbr.abs _section_cstart, $3  }
0xc4: {  	[dreg:$0x1] =	wrdreg $0xFFFFFFFF  }
0xc5: {  	_ =	task.clear_ibuf [dreg:s9], $0x2FFFF;
	_ =	strace $0x9FFFFFFF  }
0xc6: {  	(tm) =	ssettm $0x7FFFFFFF  }
0xc7: {  	_ =	shalt  }
tec
execute0_lowered:
.L_overlay_start_1:
0x0: {  	(tag) =	ssettag $0x1  }
0x1: {  	s7 =	rddreg [dreg:$0x0]  }
0x2: {  	s8 =	rddreg [dreg:$0x1]  }
0x3: {  	s6 =	rddreg [dreg:$0x2]  }
0x4: {  	s9 =	rddreg [dreg:$0x3]  }
0x5: {  	s0 =	rddreg [dreg:$0x4];
	s1 =	simm.s32 $0x0  }
0x6: {  	s2 =	srdreg.scid;
	s14 =	simm.s32 $0x4800;
	s15 =	simm.s32 $0x400  }
0x7: {  	s16 =	simm.s32 $0x8800;
	s17 =	simm.s32 $0x600;
	s18 =	simm.s32 $0xA800  }
0x8: {  	s19 =	simm.s32 $0x1;
	s20 =	simm.s32 $0xC800;
	[smem:$0x7FF] =	sst s1  }
0x9: {  	s21 =	simm.s32 $0x0;
	s3 =	sadd.s32 $0x1313200, s6;
	s4 =	sadd.s32 $0xF42800, s6  }
0xa: {  	s10 =	sand.u32 $0x1, s2;
	s5 =	sadd.s32 $0x1EE00, s6;
	s2 =	stileid.u32  }
0xb: {  	s6 =	sadd.s32 $0x400, s6;
	_ =	strace $0x80000047;
	s11 =	ssub.s32 $0x2, s10  }
0xc: {  	s13 =	sshll.u32 s2, $0x7;
	s10 =	sshll.u32 s10, $0x6;
	s12 =	sshrl.u32 s11, $0x1  }
0xd: {  	s10 =	sor.u32 s10, s13;
	s13 =	simm.s32 $0x800;
	s11 =	ssub.s32 s11, s12  }
0xe: {  	s7 =	sadd.s32 s7, s10;
	s8 =	sadd.s32 s8, s10;
	s9 =	sadd.s32 s9, s10  }
0xf: {  	v0 =	vlaneseq.u32;
	s12 =	simm.s32 $0x200;
	s10 =	smax.u32 s11, $0x1;
	s11 =	simm.s32 $0x2  }
.LBB2_1:
0x10: {  	[tilespmem:s1], [sflag:$0x2] =	stream.linear.gather [hbm4b:s7+s1], $0x200, $0x38;
	[tilespmem:$0xCA00] =	vst v63  }
0x11: {  	_ =	swait.ge [sflag:s11], $0x200  }
0x12: {  	[sflag:s11] =	ssyncset.done $0x0  }
0x13: {  	[sflag:s11] =	ssyncadd.s32 $0xFFFFFE00  }
0x14: {  	[tilespmem:s12], [sflag:$0x2] =	stream.linear.gather [hbm4b:s8+s1], $0x200, $0x38;
	[tilespmem:$0xCA00] =	vst v63  }
0x15: {  	_ =	swait.ge [sflag:s11], $0x200  }
0x16: {  	[sflag:s11] =	ssyncset.done $0x0  }
0x17: {  	s22 =	simm.s32 $0x0;
	[sflag:s11] =	ssyncadd.s32 $0xFFFFFE00  }
0x18: {  	v1 =	vld [tilespmem:s22+$0x200]  }
0x19: {  	s23 =	simm.s32 $0x40;
	v2 =	vld [tilespmem:s22+$0x0]  }
.LBB2_2:
0x1a: {  	p0 =	sne.s32 s23, $0x7C0  }
.Ltmp0:
0x1b: {  	_ = 	snop;
	(pc) =	sbr.rel @p0 .LBB2_2-.Ltmp0, $4  }
0x1c: {  	_ = 	snop  }
0x1d: {  	s24 =	sshra.s32 s23, $0x2;
	s23 =	sadd.s32 $0x40, s23;
	v3 =	vshrl.u32 v1, $0x4  }
0x1e: {  	v1 =	vld [tilespmem:s24+$0x200];
	v4 =	vshrl.u32 v2, $0x4;
	[tilespmem:s22+$0x600] =	vst v3  }
0x1f: {  	v2 =	vld [tilespmem:s24+$0x0];
	[tilespmem:s22+$0x400] =	vst v4;
	s22 =	smov.u32 s24  }
0x20: {  	_ =	sdelay $0x2  }
0x21: {  	v1 =	vshrl.u32 v1, $0x4  }
0x22: {  	v2 =	vshrl.u32 v2, $0x4;
	[tilespmem:s22+$0x600] =	vst v1  }
0x23: {  	s31 =	simm.s32 $0x200;
	s23 =	simm.s32 $0x0;
	[tilespmem:s22+$0x400] =	vst v2  }
0x24: {  	[tilespmem:s13], [sflag:$0x1] =	stream.indirect.gather [hbm4b:s3+s31], $0x20, s23, s31, $0xb8;
	[tilespmem:$0xCA00] =	vst v63  }
0x25: {  	_ = 	snop  }
0x26: {  	[tilespmem:s14], [sflag:$0x1] =	stream.indirect.gather [hbm4b:s4+s31], $0x20, s31, s31, $0xb8;
	[tilespmem:$0xCA00] =	vst v63  }
0x27: {  	_ = 	snop  }
0x28: {  	[tilespmem:s16], [sflag:$0x1] =	stream.indirect.gather [hbm4b:s5+s31], $0x10, s15, s31, $0xb8;
	[tilespmem:$0xCA00] =	vst v63  }
0x29: {  	_ = 	snop  }
0x2a: {  	[tilespmem:s18], [sflag:$0x1] =	stream.indirect.gather [hbm4b:s6+s31], $0x10, s17, s31, $0xb8;
	[tilespmem:$0xCA00] =	vst v63  }
0x2b: {  	_ =	swait.ge [sflag:s19], $0x4000  }
0x2c: {  	[sflag:s19] =	ssyncset.done $0x0  }
0x2d: {  	[sflag:s19] =	ssyncadd.s32 $0xFFFFC000  }
0x2e: {  	_ =	swait.ge [sflag:s19], $0x4000  }
0x2f: {  	[sflag:s19] =	ssyncset.done $0x0  }
0x30: {  	[sflag:s19] =	ssyncadd.s32 $0xFFFFC000  }
0x31: {  	_ =	swait.ge [sflag:s19], $0x2000  }
0x32: {  	[sflag:s19] =	ssyncset.done $0x0  }
0x33: {  	[sflag:s19] =	ssyncadd.s32 $0xFFFFE000  }
0x34: {  	_ =	swait.ge [sflag:s19], $0x2000  }
0x35: {  	[sflag:s19] =	ssyncset.done $0x0  }
0x36: {  	[sflag:s19] =	ssyncadd.s32 $0xFFFFE000  }
0x37: {  	v2 =	vld [tilespmem:s23+$0x0]  }
0x38: {  	v3 =	vld [tilespmem:s31+$0x0];
	_ =	sdelay $0x1  }
0x39: {  	v4 =	vor.u32 s23, v0  }
0x3a: {  	v1 =	vshll.u32 v4, $0x5  }
0x3b: {  	v4 =	vshll.u32 v4, $0x4;
	v2 =	vand.u32 $0xF, v2  }
0x3c: {  	v3 =	vand.u32 $0xF, v3;
	v2 =	vor.u32 v4, v2  }
0x3d: {  	v3 =	vor.u32 v4, v3  }
0x3e: {  	v4 =	vor.u32 $0x1, v1  }
0x3f: {  	v5 =	vld.idx.msk [tilespmem:v1+s13+$0x0], $0xffff  }
0x40: {  	v7 =	vor.u32 $0x2, v1;
	v6 =	vld.idx.msk [tilespmem:v1+s14+$0x0], $0xffff  }
0x41: {  	v2 =	vld.idx.msk [tilespmem:v2+s16+$0x0], $0xffff  }
0x42: {  	v8 =	vor.u32 $0x3, v1;
	v3 =	vld.idx.msk [tilespmem:v3+s18+$0x0], $0xffff  }
0x43: {  	v9 =	vld.idx.msk [tilespmem:v4+s13+$0x0], $0xffff  }
0x44: {  	v10 =	vor.u32 $0x4, v1;
	v4 =	vld.idx.msk [tilespmem:v4+s14+$0x0], $0xffff  }
0x45: {  	v11 =	vld.idx.msk [tilespmem:v7+s13+$0x0], $0xffff  }
0x46: {  	v12 =	vor.u32 $0x5, v1;
	v7 =	vld.idx.msk [tilespmem:v7+s14+$0x0], $0xffff  }
0x47: {  	v13 =	vld.idx.msk [tilespmem:v8+s13+$0x0], $0xffff;
	v2 =	vadd.f32 v3, v2;
	v3 =	vmul.f32 v6, v5  }
0x48: {  	v50 =	vor.u32 $0x6, v1;
	v5 =	vld.idx.msk [tilespmem:v8+s14+$0x0], $0xffff  }
0x49: {  	v51 =	vld.idx.msk [tilespmem:v10+s13+$0x0], $0xffff;
	v2 =	vadd.f32 v3, v2;
	v3 =	vmul.f32 v4, v9  }
0x4a: {  	v52 =	vor.u32 $0x7, v1;
	v4 =	vld.idx.msk [tilespmem:v10+s14+$0x0], $0xffff  }
0x4b: {  	v53 =	vld.idx.msk [tilespmem:v12+s13+$0x0], $0xffff;
	v2 =	vadd.f32 v3, v2;
	v3 =	vmul.f32 v7, v11  }
0x4c: {  	v55 =	vor.u32 $0x8, v1;
	v54 =	vld.idx.msk [tilespmem:v12+s14+$0x0], $0xffff  }
0x4d: {  	v56 =	vld.idx.msk [tilespmem:v50+s13+$0x0], $0xffff;
	v2 =	vadd.f32 v3, v2;
	v3 =	vmul.f32 v5, v13  }
0x4e: {  	v57 =	vor.u32 $0x9, v1;
	v5 =	vld.idx.msk [tilespmem:v50+s14+$0x0], $0xffff  }
0x4f: {  	v58 =	vld.idx.msk [tilespmem:v52+s13+$0x0], $0xffff;
	v2 =	vadd.f32 v3, v2;
	v3 =	vmul.f32 v4, v51  }
0x50: {  	v59 =	vor.u32 $0xA, v1;
	v4 =	vld.idx.msk [tilespmem:v52+s14+$0x0], $0xffff  }
0x51: {  	v60 =	vld.idx.msk [tilespmem:v55+s13+$0x0], $0xffff;
	v2 =	vadd.f32 v3, v2;
	v3 =	vmul.f32 v54, v53  }
0x52: {  	v62 =	vor.u32 $0xB, v1;
	v61 =	vld.idx.msk [tilespmem:v55+s14+$0x0], $0xffff  }
0x53: {  	v63 =	vld.idx.msk [tilespmem:v57+s13+$0x0], $0xffff;
	v2 =	vadd.f32 v3, v2;
	v3 =	vmul.f32 v5, v56  }
0x54: {  	v16 =	vor.u32 $0xC, v1;
	v5 =	vld.idx.msk [tilespmem:v57+s14+$0x0], $0xffff  }
0x55: {  	v17 =	vld.idx.msk [tilespmem:v59+s13+$0x0], $0xffff;
	v2 =	vadd.f32 v3, v2;
	v3 =	vmul.f32 v4, v58  }
0x56: {  	v18 =	vor.u32 $0xD, v1;
	v4 =	vld.idx.msk [tilespmem:v59+s14+$0x0], $0xffff  }
0x57: {  	v19 =	vld.idx.msk [tilespmem:v62+s13+$0x0], $0xffff;
	v2 =	vadd.f32 v3, v2;
	v3 =	vmul.f32 v61, v60  }
0x58: {  	v21 =	vor.u32 $0xE, v1;
	v20 =	vld.idx.msk [tilespmem:v62+s14+$0x0], $0xffff  }
0x59: {  	v22 =	vld.idx.msk [tilespmem:v16+s13+$0x0], $0xffff;
	v2 =	vadd.f32 v3, v2;
	v3 =	vmul.f32 v5, v63  }
0x5a: {  	v23 =	vor.u32 $0xF, v1;
	v5 =	vld.idx.msk [tilespmem:v16+s14+$0x0], $0xffff  }
0x5b: {  	v24 =	vld.idx.msk [tilespmem:v18+s13+$0x0], $0xffff;
	v2 =	vadd.f32 v3, v2;
	v3 =	vmul.f32 v4, v17  }
0x5c: {  	v25 =	vor.u32 $0x10, v1;
	v4 =	vld.idx.msk [tilespmem:v18+s14+$0x0], $0xffff  }
0x5d: {  	v26 =	vld.idx.msk [tilespmem:v21+s13+$0x0], $0xffff;
	v2 =	vadd.f32 v3, v2;
	v3 =	vmul.f32 v20, v19  }
0x5e: {  	v28 =	vor.u32 $0x11, v1;
	v27 =	vld.idx.msk [tilespmem:v21+s14+$0x0], $0xffff  }
0x5f: {  	v29 =	vld.idx.msk [tilespmem:v23+s13+$0x0], $0xffff;
	v2 =	vadd.f32 v3, v2;
	v3 =	vmul.f32 v5, v22  }
0x60: {  	v30 =	vor.u32 $0x12, v1;
	v5 =	vld.idx.msk [tilespmem:v23+s14+$0x0], $0xffff  }
0x61: {  	v31 =	vld.idx.msk [tilespmem:v25+s13+$0x0], $0xffff;
	v2 =	vadd.f32 v3, v2;
	v3 =	vmul.f32 v4, v24  }
0x62: {  	v32 =	vor.u32 $0x13, v1;
	v4 =	vld.idx.msk [tilespmem:v25+s14+$0x0], $0xffff  }
0x63: {  	v33 =	vld.idx.msk [tilespmem:v28+s13+$0x0], $0xffff;
	v2 =	vadd.f32 v3, v2;
	v3 =	vmul.f32 v27, v26  }
0x64: {  	v35 =	vor.u32 $0x14, v1;
	v34 =	vld.idx.msk [tilespmem:v28+s14+$0x0], $0xffff  }
0x65: {  	v36 =	vld.idx.msk [tilespmem:v30+s13+$0x0], $0xffff;
	v2 =	vadd.f32 v3, v2;
	v3 =	vmul.f32 v5, v29  }
0x66: {  	v37 =	vor.u32 $0x15, v1;
	v5 =	vld.idx.msk [tilespmem:v30+s14+$0x0], $0xffff  }
0x67: {  	v38 =	vld.idx.msk [tilespmem:v32+s13+$0x0], $0xffff;
	v2 =	vadd.f32 v3, v2;
	v3 =	vmul.f32 v4, v31  }
0x68: {  	v39 =	vor.u32 $0x16, v1;
	v4 =	vld.idx.msk [tilespmem:v32+s14+$0x0], $0xffff  }
0x69: {  	v40 =	vld.idx.msk [tilespmem:v35+s13+$0x0], $0xffff;
	v2 =	vadd.f32 v3, v2;
	v3 =	vmul.f32 v34, v33  }
0x6a: {  	v42 =	vor.u32 $0x17, v1;
	v41 =	vld.idx.msk [tilespmem:v35+s14+$0x0], $0xffff  }
0x6b: {  	v43 =	vld.idx.msk [tilespmem:v37+s13+$0x0], $0xffff;
	v2 =	vadd.f32 v3, v2;
	v3 =	vmul.f32 v5, v36  }
0x6c: {  	v44 =	vor.u32 $0x18, v1;
	v5 =	vld.idx.msk [tilespmem:v37+s14+$0x0], $0xffff  }
0x6d: {  	v45 =	vld.idx.msk [tilespmem:v39+s13+$0x0], $0xffff;
	v2 =	vadd.f32 v3, v2;
	v3 =	vmul.f32 v4, v38  }
0x6e: {  	v46 =	vor.u32 $0x19, v1;
	v4 =	vld.idx.msk [tilespmem:v39+s14+$0x0], $0xffff  }
0x6f: {  	v47 =	vld.idx.msk [tilespmem:v42+s13+$0x0], $0xffff;
	v2 =	vadd.f32 v3, v2;
	v3 =	vmul.f32 v41, v40  }
0x70: {  	v49 =	vor.u32 $0x1A, v1;
	v48 =	vld.idx.msk [tilespmem:v42+s14+$0x0], $0xffff  }
0x71: {  	v50 =	vld.idx.msk [tilespmem:v44+s13+$0x0], $0xffff;
	v2 =	vadd.f32 v3, v2;
	v3 =	vmul.f32 v5, v43  }
0x72: {  	v51 =	vor.u32 $0x1B, v1;
	v5 =	vld.idx.msk [tilespmem:v44+s14+$0x0], $0xffff  }
0x73: {  	v52 =	vld.idx.msk [tilespmem:v46+s13+$0x0], $0xffff;
	v2 =	vadd.f32 v3, v2;
	v3 =	vmul.f32 v4, v45  }
0x74: {  	v53 =	vor.u32 $0x1C, v1;
	v4 =	vld.idx.msk [tilespmem:v46+s14+$0x0], $0xffff  }
0x75: {  	v55 =	vld.idx.msk [tilespmem:v49+s14+$0x0], $0xffff;
	v2 =	vadd.f32 v3, v2;
	v3 =	vmul.f32 v48, v47  }
0x76: {  	v54 =	vld.idx.msk [tilespmem:v49+s13+$0x0], $0xffff;
	v56 =	vor.u32 $0x1D, v1  }
0x77: {  	v57 =	vld.idx.msk [tilespmem:v51+s13+$0x0], $0xffff;
	v2 =	vadd.f32 v3, v2;
	v3 =	vmul.f32 v5, v50  }
0x78: {  	v58 =	vor.u32 $0x1E, v1;
	v5 =	vld.idx.msk [tilespmem:v51+s14+$0x0], $0xffff  }
0x79: {  	v59 =	vld.idx.msk [tilespmem:v53+s13+$0x0], $0xffff;
	v2 =	vadd.f32 v3, v2;
	v3 =	vmul.f32 v4, v52  }
0x7a: {  	v1 =	vor.u32 $0x1F, v1;
	v4 =	vld.idx.msk [tilespmem:v53+s14+$0x0], $0xffff  }
0x7b: {  	v60 =	vld.idx.msk [tilespmem:v56+s13+$0x0], $0xffff;
	v2 =	vadd.f32 v3, v2;
	v3 =	vmul.f32 v55, v54  }
0x7c: {  	v61 =	vld.idx.msk [tilespmem:v56+s14+$0x0], $0xffff  }
0x7d: {  	v62 =	vld.idx.msk [tilespmem:v58+s13+$0x0], $0xffff;
	v2 =	vadd.f32 v3, v2;
	v3 =	vmul.f32 v5, v57  }
0x7e: {  	v5 =	vld.idx.msk [tilespmem:v58+s14+$0x0], $0xffff  }
0x7f: {  	v63 =	vld.idx.msk [tilespmem:v1+s13+$0x0], $0xffff;
	v2 =	vadd.f32 v3, v2;
	v3 =	vmul.f32 v4, v59  }
0x80: {  	v1 =	vld.idx.msk [tilespmem:v1+s14+$0x0], $0xffff  }
0x81: {  	v2 =	vadd.f32 v3, v2;
	v3 =	vmul.f32 v61, v60;
	_ =	sdelay $0x1  }
0x82: {  	v2 =	vadd.f32 v3, v2;
	v3 =	vmul.f32 v5, v62;
	_ =	sdelay $0x1  }
0x83: {  	v1 =	vmul.f32 v1, v63;
	v2 =	vadd.f32 v3, v2;
	_ =	sdelay $0x1  }
0x84: {  	v1 =	vadd.f32 v1, v2;
	_ =	sdelay $0x1  }
0x85: {  	v1 =	vsub.f32 $0.0e+00, v1;
	_ =	sdelay $0x1  }
0x86: {  	v1 =	vmul.f32 $1.442695020e+00, v1;
	_ =	sdelay $0x1  }
0x87: {  	(erf) = vpow2.f32 v1;
	_ =	sdelay $0x8  }
0x88: {  	v1 =	vpop (erf)  }
0x89: {  	v1 =	vadd.f32 $1.000000000e+00, v1;
	_ =	sdelay $0x1  }
0x8a: {  	(erf) = vrcp.f32 v1;
	_ =	sdelay $0x8  }
0x8b: {  	v1 =	vpop (erf)  }
0x8c: {  	v1 =	vmul.f32 $5.000000000e+00, v1  }
0x8d: {  	s22 =	simm.s32 $0xC800  }
0x8e: {  	s23 =	simm.s32 $0x10;
	[tilespmem:s22+$0x0] =	vst v1  }
0x8f: {  	s24 =	simm.s32 $0x210;
	v2 =	vld [tilespmem:s23+$0x0]  }
0x90: {  	s25 =	simm.s32 $0x20;
	s26 =	simm.s32 $0x10;
	v3 =	vld [tilespmem:s24+$0x0]  }
.LBB2_4:
0x91: {  	p0 =	sne.s32 s25, $0x1F0  }
0x92: {  	v4 =	vor.u32 s23, v0;
	s23 =	smov.u32 s25  }
0x93: {  	v1 =	vshll.u32 v4, $0x5  }
0x94: {  	v4 =	vshll.u32 v4, $0x4;
	v2 =	vand.u32 $0xF, v2  }
0x95: {  	v2 =	vor.u32 v4, v2;
	v3 =	vand.u32 $0xF, v3  }
0x96: {  	v3 =	vor.u32 v4, v3  }
0x97: {  	v4 =	vor.u32 $0x1, v1  }
0x98: {  	v5 =	vld.idx.msk [tilespmem:v1+s13+$0x0], $0xffff  }
0x99: {  	v7 =	vor.u32 $0x2, v1;
	v6 =	vld.idx.msk [tilespmem:v1+s14+$0x0], $0xffff  }
0x9a: {  	v2 =	vld.idx.msk [tilespmem:v2+s16+$0x0], $0xffff  }
0x9b: {  	v8 =	vor.u32 $0x3, v1;
	v3 =	vld.idx.msk [tilespmem:v3+s18+$0x0], $0xffff  }
0x9c: {  	v9 =	vld.idx.msk [tilespmem:v4+s13+$0x0], $0xffff  }
0x9d: {  	v10 =	vor.u32 $0x4, v1;
	v4 =	vld.idx.msk [tilespmem:v4+s14+$0x0], $0xffff  }
0x9e: {  	v11 =	vld.idx.msk [tilespmem:v7+s13+$0x0], $0xffff  }
0x9f: {  	v12 =	vor.u32 $0x5, v1;
	v7 =	vld.idx.msk [tilespmem:v7+s14+$0x0], $0xffff  }
0xa0: {  	v13 =	vld.idx.msk [tilespmem:v8+s13+$0x0], $0xffff  }
0xa1: {  	v2 =	vadd.f32 v3, v2;
	v3 =	vmul.f32 v6, v5;
	v6 =	vor.u32 $0x6, v1;
	v5 =	vld.idx.msk [tilespmem:v8+s14+$0x0], $0xffff  }
0xa2: {  	v8 =	vld.idx.msk [tilespmem:v10+s13+$0x0], $0xffff  }
0xa3: {  	v2 =	vadd.f32 v3, v2;
	v3 =	vmul.f32 v4, v9;
	v9 =	vor.u32 $0x7, v1;
	v4 =	vld.idx.msk [tilespmem:v10+s14+$0x0], $0xffff  }
0xa4: {  	v10 =	vld.idx.msk [tilespmem:v12+s13+$0x0], $0xffff  }
0xa5: {  	v2 =	vadd.f32 v3, v2;
	v3 =	vmul.f32 v7, v11;
	v11 =	vor.u32 $0x8, v1;
	v7 =	vld.idx.msk [tilespmem:v12+s14+$0x0], $0xffff  }
0xa6: {  	v12 =	vld.idx.msk [tilespmem:v6+s13+$0x0], $0xffff  }
0xa7: {  	v2 =	vadd.f32 v3, v2;
	v3 =	vmul.f32 v5, v13;
	v5 =	vld.idx.msk [tilespmem:v6+s14+$0x0], $0xffff;
	v6 =	vor.u32 $0x9, v1  }
0xa8: {  	v13 =	vld.idx.msk [tilespmem:v9+s13+$0x0], $0xffff  }
0xa9: {  	v2 =	vadd.f32 v3, v2;
	v3 =	vmul.f32 v4, v8;
	v8 =	vor.u32 $0xA, v1;
	v4 =	vld.idx.msk [tilespmem:v9+s14+$0x0], $0xffff  }
0xaa: {  	v9 =	vld.idx.msk [tilespmem:v11+s13+$0x0], $0xffff  }
0xab: {  	v2 =	vadd.f32 v3, v2;
	v3 =	vmul.f32 v7, v10;
	v10 =	vor.u32 $0xB, v1;
	v7 =	vld.idx.msk [tilespmem:v11+s14+$0x0], $0xffff  }
0xac: {  	v11 =	vld.idx.msk [tilespmem:v6+s13+$0x0], $0xffff  }
0xad: {  	v2 =	vadd.f32 v3, v2;
	v3 =	vmul.f32 v5, v12;
	v5 =	vld.idx.msk [tilespmem:v6+s14+$0x0], $0xffff;
	v6 =	vor.u32 $0xC, v1  }
0xae: {  	v12 =	vld.idx.msk [tilespmem:v8+s13+$0x0], $0xffff  }
0xaf: {  	v2 =	vadd.f32 v3, v2;
	v3 =	vmul.f32 v4, v13;
	v4 =	vld.idx.msk [tilespmem:v8+s14+$0x0], $0xffff;
	v8 =	vor.u32 $0xD, v1  }
0xb0: {  	v13 =	vld.idx.msk [tilespmem:v10+s13+$0x0], $0xffff  }
0xb1: {  	v2 =	vadd.f32 v3, v2;
	v3 =	vmul.f32 v7, v9;
	v9 =	vor.u32 $0xE, v1;
	v7 =	vld.idx.msk [tilespmem:v10+s14+$0x0], $0xffff  }
0xb2: {  	v10 =	vld.idx.msk [tilespmem:v6+s13+$0x0], $0xffff  }
0xb3: {  	v2 =	vadd.f32 v3, v2;
	v3 =	vmul.f32 v5, v11;
	v5 =	vld.idx.msk [tilespmem:v6+s14+$0x0], $0xffff;
	v6 =	vor.u32 $0xF, v1  }
0xb4: {  	v11 =	vld.idx.msk [tilespmem:v8+s13+$0x0], $0xffff  }
0xb5: {  	v2 =	vadd.f32 v3, v2;
	v3 =	vmul.f32 v4, v12;
	v4 =	vld.idx.msk [tilespmem:v8+s14+$0x0], $0xffff;
	v8 =	vor.u32 $0x10, v1  }
0xb6: {  	v12 =	vld.idx.msk [tilespmem:v9+s13+$0x0], $0xffff  }
0xb7: {  	v2 =	vadd.f32 v3, v2;
	v3 =	vmul.f32 v7, v13;
	v7 =	vld.idx.msk [tilespmem:v9+s14+$0x0], $0xffff;
	v9 =	vor.u32 $0x11, v1  }
0xb8: {  	v13 =	vld.idx.msk [tilespmem:v6+s13+$0x0], $0xffff  }
0xb9: {  	v2 =	vadd.f32 v3, v2;
	v3 =	vmul.f32 v5, v10;
	v5 =	vld.idx.msk [tilespmem:v6+s14+$0x0], $0xffff;
	v6 =	vor.u32 $0x12, v1  }
0xba: {  	v10 =	vld.idx.msk [tilespmem:v8+s13+$0x0], $0xffff  }
0xbb: {  	v2 =	vadd.f32 v3, v2;
	v3 =	vmul.f32 v4, v11;
	v4 =	vld.idx.msk [tilespmem:v8+s14+$0x0], $0xffff;
	v8 =	vor.u32 $0x13, v1  }
0xbc: {  	v11 =	vld.idx.msk [tilespmem:v9+s13+$0x0], $0xffff  }
0xbd: {  	v2 =	vadd.f32 v3, v2;
	v3 =	vmul.f32 v7, v12;
	v7 =	vld.idx.msk [tilespmem:v9+s14+$0x0], $0xffff;
	v9 =	vor.u32 $0x14, v1  }
0xbe: {  	v12 =	vld.idx.msk [tilespmem:v6+s13+$0x0], $0xffff  }
0xbf: {  	v2 =	vadd.f32 v3, v2;
	v3 =	vmul.f32 v5, v13;
	v5 =	vld.idx.msk [tilespmem:v6+s14+$0x0], $0xffff;
	v6 =	vor.u32 $0x15, v1  }
0xc0: {  	v13 =	vld.idx.msk [tilespmem:v8+s13+$0x0], $0xffff  }
0xc1: {  	v2 =	vadd.f32 v3, v2;
	v3 =	vmul.f32 v4, v10;
	v4 =	vld.idx.msk [tilespmem:v8+s14+$0x0], $0xffff;
	v8 =	vor.u32 $0x16, v1  }
0xc2: {  	v10 =	vld.idx.msk [tilespmem:v9+s13+$0x0], $0xffff  }
0xc3: {  	v2 =	vadd.f32 v3, v2;
	v3 =	vmul.f32 v7, v11;
	v7 =	vld.idx.msk [tilespmem:v9+s14+$0x0], $0xffff;
	v9 =	vor.u32 $0x17, v1  }
0xc4: {  	v11 =	vld.idx.msk [tilespmem:v6+s13+$0x0], $0xffff  }
0xc5: {  	v2 =	vadd.f32 v3, v2;
	v3 =	vmul.f32 v5, v12;
	v5 =	vld.idx.msk [tilespmem:v6+s14+$0x0], $0xffff;
	v6 =	vor.u32 $0x18, v1  }
0xc6: {  	v12 =	vld.idx.msk [tilespmem:v8+s13+$0x0], $0xffff  }
0xc7: {  	v2 =	vadd.f32 v3, v2;
	v3 =	vmul.f32 v4, v13;
	v4 =	vld.idx.msk [tilespmem:v8+s14+$0x0], $0xffff;
	v8 =	vor.u32 $0x19, v1  }
0xc8: {  	v13 =	vld.idx.msk [tilespmem:v9+s13+$0x0], $0xffff  }
0xc9: {  	v2 =	vadd.f32 v3, v2;
	v3 =	vmul.f32 v7, v10;
	v7 =	vld.idx.msk [tilespmem:v9+s14+$0x0], $0xffff;
	v9 =	vor.u32 $0x1A, v1  }
0xca: {  	v10 =	vld.idx.msk [tilespmem:v6+s13+$0x0], $0xffff  }
0xcb: {  	v2 =	vadd.f32 v3, v2;
	v3 =	vmul.f32 v5, v11;
	v5 =	vld.idx.msk [tilespmem:v6+s14+$0x0], $0xffff;
	v6 =	vor.u32 $0x1B, v1  }
0xcc: {  	v11 =	vld.idx.msk [tilespmem:v8+s13+$0x0], $0xffff  }
0xcd: {  	v2 =	vadd.f32 v3, v2;
	v3 =	vmul.f32 v4, v12;
	v4 =	vld.idx.msk [tilespmem:v8+s14+$0x0], $0xffff;
	v8 =	vor.u32 $0x1C, v1  }
0xce: {  	v12 =	vld.idx.msk [tilespmem:v9+s13+$0x0], $0xffff  }
0xcf: {  	v2 =	vadd.f32 v3, v2;
	v3 =	vmul.f32 v7, v13;
	v7 =	vld.idx.msk [tilespmem:v9+s14+$0x0], $0xffff;
	v9 =	vor.u32 $0x1D, v1  }
0xd0: {  	v13 =	vld.idx.msk [tilespmem:v6+s13+$0x0], $0xffff  }
0xd1: {  	v2 =	vadd.f32 v3, v2;
	v3 =	vmul.f32 v5, v10;
	v5 =	vld.idx.msk [tilespmem:v6+s14+$0x0], $0xffff;
	v6 =	vor.u32 $0x1E, v1  }
0xd2: {  	v10 =	vld.idx.msk [tilespmem:v8+s13+$0x0], $0xffff  }
0xd3: {  	v1 =	vor.u32 $0x1F, v1;
	v2 =	vadd.f32 v3, v2;
	v3 =	vmul.f32 v4, v11;
	v4 =	vld.idx.msk [tilespmem:v8+s14+$0x0], $0xffff  }
0xd4: {  	v8 =	vld.idx.msk [tilespmem:v9+s13+$0x0], $0xffff  }
0xd5: {  	v2 =	vadd.f32 v3, v2;
	v3 =	vmul.f32 v7, v12;
	v7 =	vld.idx.msk [tilespmem:v9+s14+$0x0], $0xffff  }
0xd6: {  	v9 =	vld.idx.msk [tilespmem:v6+s13+$0x0], $0xffff  }
0xd7: {  	v2 =	vadd.f32 v3, v2;
	v3 =	vmul.f32 v5, v13;
	v5 =	vld.idx.msk [tilespmem:v6+s14+$0x0], $0xffff  }
0xd8: {  	v6 =	vld.idx.msk [tilespmem:v1+s13+$0x0], $0xffff  }
0xd9: {  	v2 =	vadd.f32 v3, v2;
	v3 =	vmul.f32 v4, v10;
	v1 =	vld.idx.msk [tilespmem:v1+s14+$0x0], $0xffff;
	_ =	sdelay $0x1  }
0xda: {  	v2 =	vadd.f32 v3, v2;
	v3 =	vmul.f32 v7, v8;
	_ =	sdelay $0x1  }
0xdb: {  	v2 =	vadd.f32 v3, v2;
	v3 =	vmul.f32 v5, v9;
	_ =	sdelay $0x1  }
0xdc: {  	v2 =	vadd.f32 v3, v2;
	v1 =	vmul.f32 v1, v6;
	_ =	sdelay $0x1  }
0xdd: {  	v1 =	vadd.f32 v1, v2;
	_ =	sdelay $0x1  }
0xde: {  	v1 =	vsub.f32 $0.0e+00, v1;
	_ =	sdelay $0x1  }
0xdf: {  	v1 =	vmul.f32 $1.442695020e+00, v1;
	_ =	sdelay $0x1  }
0xe0: {  	(erf) = vpow2.f32 v1;
	_ =	sdelay $0x8  }
0xe1: {  	v1 =	vpop (erf)  }
0xe2: {  	v1 =	vadd.f32 $1.000000000e+00, v1;
	_ =	sdelay $0x1  }
0xe3: {  	(erf) = vrcp.f32 v1;
	_ =	sdelay $0x8  }
0xe4: {  	v1 =	vpop (erf)  }
.Ltmp1:
0xe5: {  	v1 =	vmul.f32 $5.000000000e+00, v1;
	(pc) =	sbr.rel @p0 .LBB2_4-.Ltmp1, $4  }
0xe6: {  	s22 =	sadd.s32 $0x10, s22  }
0xe7: {  	s26 =	sadd.s32 $0x10, s26;
	[tilespmem:s22+$0x0] =	vst v1  }
0xe8: {  	s24 =	sadd.s32 $0x10, s24;
	v2 =	vld [tilespmem:s26+$0x0]  }
0xe9: {  	s25 =	sadd.s32 $0x10, s25;
	v3 =	vld [tilespmem:s24+$0x0]  }
0xea: {  	_ = 	snop  }
0xeb: {  	v4 =	vor.u32 s23, v0  }
0xec: {  	v1 =	vshll.u32 v4, $0x5  }
0xed: {  	v4 =	vshll.u32 v4, $0x4;
	v2 =	vand.u32 $0xF, v2  }
0xee: {  	v2 =	vor.u32 v4, v2;
	v3 =	vand.u32 $0xF, v3  }
0xef: {  	v3 =	vor.u32 v4, v3  }
0xf0: {  	v30 =	vor.u32 $0x1, v1  }
0xf1: {  	v5 =	vld.idx.msk [tilespmem:v1+s13+$0x0], $0xffff  }
0xf2: {  	v7 =	vor.u32 $0x2, v1;
	v6 =	vld.idx.msk [tilespmem:v1+s14+$0x0], $0xffff  }
0xf3: {  	v2 =	vld.idx.msk [tilespmem:v2+s16+$0x0], $0xffff  }
0xf4: {  	v8 =	vor.u32 $0x3, v1;
	v3 =	vld.idx.msk [tilespmem:v3+s18+$0x0], $0xffff  }
0xf5: {  	v9 =	vld.idx.msk [tilespmem:v30+s13+$0x0], $0xffff  }
0xf6: {  	v10 =	vor.u32 $0x4, v1;
	v4 =	vld.idx.msk [tilespmem:v30+s14+$0x0], $0xffff  }
0xf7: {  	v11 =	vld.idx.msk [tilespmem:v7+s13+$0x0], $0xffff  }
0xf8: {  	v12 =	vor.u32 $0x5, v1;
	v7 =	vld.idx.msk [tilespmem:v7+s14+$0x0], $0xffff  }
0xf9: {  	v13 =	vld.idx.msk [tilespmem:v8+s13+$0x0], $0xffff;
	v2 =	vadd.f32 v3, v2;
	v3 =	vmul.f32 v6, v5  }
0xfa: {  	v32 =	vor.u32 $0x6, v1;
	v31 =	vld.idx.msk [tilespmem:v8+s14+$0x0], $0xffff  }
0xfb: {  	v33 =	vld.idx.msk [tilespmem:v10+s13+$0x0], $0xffff;
	v2 =	vadd.f32 v3, v2;
	v3 =	vmul.f32 v4, v9  }
0xfc: {  	v35 =	vor.u32 $0x7, v1;
	v34 =	vld.idx.msk [tilespmem:v10+s14+$0x0], $0xffff  }
0xfd: {  	v36 =	vld.idx.msk [tilespmem:v12+s13+$0x0], $0xffff;
	v2 =	vadd.f32 v3, v2;
	v3 =	vmul.f32 v7, v11  }
0xfe: {  	v38 =	vor.u32 $0x8, v1;
	v37 =	vld.idx.msk [tilespmem:v12+s14+$0x0], $0xffff  }
0xff: {  	v39 =	vld.idx.msk [tilespmem:v32+s13+$0x0], $0xffff;
	v2 =	vadd.f32 v3, v2;
	v3 =	vmul.f32 v31, v13  }
0x100: {  	v41 =	vor.u32 $0x9, v1;
	v40 =	vld.idx.msk [tilespmem:v32+s14+$0x0], $0xffff  }
0x101: {  	v42 =	vld.idx.msk [tilespmem:v35+s13+$0x0], $0xffff;
	v2 =	vadd.f32 v3, v2;
	v3 =	vmul.f32 v34, v33  }
0x102: {  	v44 =	vor.u32 $0xA, v1;
	v43 =	vld.idx.msk [tilespmem:v35+s14+$0x0], $0xffff  }
0x103: {  	v45 =	vld.idx.msk [tilespmem:v38+s13+$0x0], $0xffff;
	v2 =	vadd.f32 v3, v2;
	v3 =	vmul.f32 v37, v36  }
0x104: {  	v47 =	vor.u32 $0xB, v1;
	v46 =	vld.idx.msk [tilespmem:v38+s14+$0x0], $0xffff  }
0x105: {  	v48 =	vld.idx.msk [tilespmem:v41+s13+$0x0], $0xffff;
	v2 =	vadd.f32 v3, v2;
	v3 =	vmul.f32 v40, v39  }
0x106: {  	v50 =	vor.u32 $0xC, v1;
	v49 =	vld.idx.msk [tilespmem:v41+s14+$0x0], $0xffff  }
0x107: {  	v51 =	vld.idx.msk [tilespmem:v44+s13+$0x0], $0xffff;
	v2 =	vadd.f32 v3, v2;
	v3 =	vmul.f32 v43, v42  }
0x108: {  	v53 =	vor.u32 $0xD, v1;
	v52 =	vld.idx.msk [tilespmem:v44+s14+$0x0], $0xffff  }
0x109: {  	v54 =	vld.idx.msk [tilespmem:v47+s13+$0x0], $0xffff;
	v2 =	vadd.f32 v3, v2;
	v3 =	vmul.f32 v46, v45  }
0x10a: {  	v56 =	vor.u32 $0xE, v1;
	v55 =	vld.idx.msk [tilespmem:v47+s14+$0x0], $0xffff  }
0x10b: {  	v57 =	vld.idx.msk [tilespmem:v50+s13+$0x0], $0xffff;
	v2 =	vadd.f32 v3, v2;
	v3 =	vmul.f32 v49, v48  }
0x10c: {  	v59 =	vor.u32 $0xF, v1;
	v58 =	vld.idx.msk [tilespmem:v50+s14+$0x0], $0xffff  }
0x10d: {  	v60 =	vld.idx.msk [tilespmem:v53+s13+$0x0], $0xffff;
	v2 =	vadd.f32 v3, v2;
	v3 =	vmul.f32 v52, v51  }
0x10e: {  	v62 =	vor.u32 $0x10, v1;
	v61 =	vld.idx.msk [tilespmem:v53+s14+$0x0], $0xffff  }
0x10f: {  	v63 =	vld.idx.msk [tilespmem:v56+s13+$0x0], $0xffff;
	v2 =	vadd.f32 v3, v2;
	v3 =	vmul.f32 v55, v54  }
0x110: {  	v17 =	vor.u32 $0x11, v1;
	v16 =	vld.idx.msk [tilespmem:v56+s14+$0x0], $0xffff  }
0x111: {  	v18 =	vld.idx.msk [tilespmem:v59+s13+$0x0], $0xffff;
	v2 =	vadd.f32 v3, v2;
	v3 =	vmul.f32 v58, v57  }
0x112: {  	v20 =	vor.u32 $0x12, v1;
	v19 =	vld.idx.msk [tilespmem:v59+s14+$0x0], $0xffff  }
0x113: {  	v21 =	vld.idx.msk [tilespmem:v62+s13+$0x0], $0xffff;
	v2 =	vadd.f32 v3, v2;
	v3 =	vmul.f32 v61, v60  }
0x114: {  	v23 =	vor.u32 $0x13, v1;
	v22 =	vld.idx.msk [tilespmem:v62+s14+$0x0], $0xffff  }
0x115: {  	v24 =	vld.idx.msk [tilespmem:v17+s13+$0x0], $0xffff;
	v2 =	vadd.f32 v3, v2;
	v3 =	vmul.f32 v16, v63  }
0x116: {  	v26 =	vor.u32 $0x14, v1;
	v25 =	vld.idx.msk [tilespmem:v17+s14+$0x0], $0xffff  }
0x117: {  	v27 =	vld.idx.msk [tilespmem:v20+s13+$0x0], $0xffff;
	v2 =	vadd.f32 v3, v2;
	v3 =	vmul.f32 v19, v18  }
0x118: {  	v29 =	vor.u32 $0x15, v1;
	v28 =	vld.idx.msk [tilespmem:v20+s14+$0x0], $0xffff  }
0x119: {  	v30 =	vld.idx.msk [tilespmem:v23+s13+$0x0], $0xffff;
	v2 =	vadd.f32 v3, v2;
	v3 =	vmul.f32 v22, v21  }
0x11a: {  	v32 =	vor.u32 $0x16, v1;
	v31 =	vld.idx.msk [tilespmem:v23+s14+$0x0], $0xffff  }
0x11b: {  	v33 =	vld.idx.msk [tilespmem:v26+s13+$0x0], $0xffff;
	v2 =	vadd.f32 v3, v2;
	v3 =	vmul.f32 v25, v24  }
0x11c: {  	v35 =	vor.u32 $0x17, v1;
	v34 =	vld.idx.msk [tilespmem:v26+s14+$0x0], $0xffff  }
0x11d: {  	v36 =	vld.idx.msk [tilespmem:v29+s13+$0x0], $0xffff;
	v2 =	vadd.f32 v3, v2;
	v3 =	vmul.f32 v28, v27  }
0x11e: {  	v38 =	vor.u32 $0x18, v1;
	v37 =	vld.idx.msk [tilespmem:v29+s14+$0x0], $0xffff  }
0x11f: {  	v39 =	vld.idx.msk [tilespmem:v32+s13+$0x0], $0xffff;
	v2 =	vadd.f32 v3, v2;
	v3 =	vmul.f32 v31, v30  }
0x120: {  	v41 =	vor.u32 $0x19, v1;
	v40 =	vld.idx.msk [tilespmem:v32+s14+$0x0], $0xffff  }
0x121: {  	v42 =	vld.idx.msk [tilespmem:v35+s13+$0x0], $0xffff;
	v2 =	vadd.f32 v3, v2;
	v3 =	vmul.f32 v34, v33  }
0x122: {  	v44 =	vor.u32 $0x1A, v1;
	v43 =	vld.idx.msk [tilespmem:v35+s14+$0x0], $0xffff  }
0x123: {  	v45 =	vld.idx.msk [tilespmem:v38+s13+$0x0], $0xffff;
	v2 =	vadd.f32 v3, v2;
	v3 =	vmul.f32 v37, v36  }
0x124: {  	v47 =	vor.u32 $0x1B, v1;
	v46 =	vld.idx.msk [tilespmem:v38+s14+$0x0], $0xffff  }
0x125: {  	v48 =	vld.idx.msk [tilespmem:v41+s13+$0x0], $0xffff;
	v2 =	vadd.f32 v3, v2;
	v3 =	vmul.f32 v40, v39  }
0x126: {  	v50 =	vor.u32 $0x1C, v1;
	v49 =	vld.idx.msk [tilespmem:v41+s14+$0x0], $0xffff  }
0x127: {  	v51 =	vld.idx.msk [tilespmem:v44+s13+$0x0], $0xffff;
	v2 =	vadd.f32 v3, v2;
	v3 =	vmul.f32 v43, v42  }
0x128: {  	v53 =	vor.u32 $0x1D, v1;
	v52 =	vld.idx.msk [tilespmem:v44+s14+$0x0], $0xffff  }
0x129: {  	v54 =	vld.idx.msk [tilespmem:v47+s13+$0x0], $0xffff;
	v2 =	vadd.f32 v3, v2;
	v3 =	vmul.f32 v46, v45  }
0x12a: {  	v56 =	vor.u32 $0x1E, v1;
	v55 =	vld.idx.msk [tilespmem:v47+s14+$0x0], $0xffff  }
0x12b: {  	v57 =	vld.idx.msk [tilespmem:v50+s13+$0x0], $0xffff;
	v2 =	vadd.f32 v3, v2;
	v3 =	vmul.f32 v49, v48  }
0x12c: {  	v1 =	vor.u32 $0x1F, v1;
	v58 =	vld.idx.msk [tilespmem:v50+s14+$0x0], $0xffff  }
0x12d: {  	v59 =	vld.idx.msk [tilespmem:v53+s13+$0x0], $0xffff;
	v2 =	vadd.f32 v3, v2;
	v3 =	vmul.f32 v52, v51  }
0x12e: {  	v60 =	vld.idx.msk [tilespmem:v53+s14+$0x0], $0xffff  }
0x12f: {  	v62 =	vld.idx.msk [tilespmem:v56+s14+$0x0], $0xffff;
	v2 =	vadd.f32 v3, v2;
	v3 =	vmul.f32 v55, v54  }
0x130: {  	v61 =	vld.idx.msk [tilespmem:v56+s13+$0x0], $0xffff  }
0x131: {  	v63 =	vld.idx.msk [tilespmem:v1+s13+$0x0], $0xffff;
	v2 =	vadd.f32 v3, v2;
	v3 =	vmul.f32 v58, v57  }
0x132: {  	v1 =	vld.idx.msk [tilespmem:v1+s14+$0x0], $0xffff  }
0x133: {  	v2 =	vadd.f32 v3, v2;
	v3 =	vmul.f32 v60, v59;
	_ =	sdelay $0x1  }
0x134: {  	v2 =	vadd.f32 v3, v2;
	v3 =	vmul.f32 v62, v61;
	_ =	sdelay $0x1  }
0x135: {  	v1 =	vmul.f32 v1, v63;
	v2 =	vadd.f32 v3, v2;
	_ =	sdelay $0x1  }
0x136: {  	v1 =	vadd.f32 v1, v2;
	_ =	sdelay $0x1  }
0x137: {  	v1 =	vsub.f32 $0.0e+00, v1;
	_ =	sdelay $0x1  }
0x138: {  	v1 =	vmul.f32 $1.442695020e+00, v1;
	_ =	sdelay $0x1  }
0x139: {  	(erf) = vpow2.f32 v1;
	_ =	sdelay $0x8  }
0x13a: {  	v1 =	vpop (erf)  }
0x13b: {  	v1 =	vadd.f32 $1.000000000e+00, v1;
	_ =	sdelay $0x1  }
0x13c: {  	(erf) = vrcp.f32 v1;
	_ =	sdelay $0x8  }
0x13d: {  	v1 =	vpop (erf)  }
0x13e: {  	s21 =	sadd.s32 $0x1, s21;
	v1 =	vmul.f32 $5.000000000e+00, v1  }
0x13f: {  	s22 =	sadd.s32 $0x10, s22;
	p0 =	sne.s32 s21, s10  }
.Ltmp2:
0x140: {  	[tilespmem:s22+$0x0] =	vst v1;
	(pc) =	sbr.rel @p0 .LBB2_1-.Ltmp2, $4  }
0x141: {  	[hbm4b:s9+s1] =	stream.linear.scatter [tilespmem:s20], [sflag:$0x2], $0x200, $0x38;
	[tilespmem:$0xCA00] =	vst v63  }
0x142: {  	_ =	swait.ge [sflag:s11], $0x200  }
0x143: {  	[sflag:s11] =	ssyncset.done $0x0  }
0x144: {  	[sflag:s11] =	ssyncadd.s32 $0xFFFFFE00  }
0x145: {  	_ =	sfence.sel $0x180000  }
0x146: {  	[bflag:$0x0] =	sbarrier.arrive $0xFFFF  }
0x147: {  	p0 =	sne.s32 s2, $0x0;
	_ =	strace $0x90000047  }
0x148: {  	s0 =	sadd.s32 @!p0 $0x100000, s0;
	[bflag:$0x2] =	sbarrier.arrive $0xFFFF  }
0x149: {  	[sflag:s0] =	ssyncadd.tile.s32 @!p0 $0x1;
	_ =	shalt  }
.Lfunc_end2:
_tile_overlayer_lowered:
.L_overlay_start_2:
0x14a: {  	(tag) =	ssettag $0x2  }
0x14b: {  	s0 =	rddreg [dreg:$0x0];
	s2 =	stileid.u32  }
0x14c: {  	s1 =	rddreg [dreg:$0x1];
	p0 =	sne.s32 s2, $0x0  }
0x14d: {  	s3 =	rddreg [dreg:$0x2];
	[bflag:$0x3] =	sbarrier.arrive $0xFFFF;
	s2 =	simm.s32 @!p0 $0x1C02  }
0x14e: {  	[timem:s3], [sflag:s2] =	dma.local @!p0 [hbm:s0], s1  }
0x14f: {  	s0 =	simm.s32 @!p0 $0x2  }
0x150: {  	_ =	swait.ge @!p0 [sflag:s0], s1  }
0x151: {  	s1 =	ssub.s32 @!p0 $0x0, s1;
	[sflag:s0] =	ssyncset.done @!p0 $0x0  }
0x152: {  	[sflag:s0] =	ssyncadd.s32 @!p0 s1  }
0x153: {  	[bflag:$0x3] =	sbarrier.arrive $0xFFFF  }
0x154: {  	_ =	shalt  }

</sc_bundles>
